<compile_context>
chip_gen: v7x
topology: tpu7x:2x2x1
jax: 0.10.2.dev20260603
libtpu: 0.0.44.dev20260713+nightly
codegen_flags: <defaults>
</compile_context>

<pallas_src>
import functools

import jax
import jax.numpy as jnp
from jax import lax
from jax.experimental import pallas as pl
from jax.experimental.pallas import tpu as pltpu
from jax.experimental.pallas import tpu_sc as plsc

F = 26
V = 100000
D = 32
B = 16384
NUM_NUMERIC = 13
H1 = 256
H2 = 64

NGRP = 7
FP = 4 * NGRP
GB = 128
CH = 2048
NG = CH // GB
TOTR = NGRP * B * 4


def _sc_gather(cat_ilv, tables_flat):
    info = plsc.get_sparse_core_info()
    NC, NS = info.num_cores, info.num_subcores
    NW = NC * NS
    per_w = TOTR // NW
    nch = per_w // CH
    rows_per_grp = B * 4

    @functools.partial(
        pl.kernel,
        mesh=plsc.VectorSubcoreMesh(core_axis_name="c", subcore_axis_name="s"),
        out_type=jax.ShapeDtypeStruct((TOTR, D), jnp.float32),
        scratch_types=[
            pltpu.VMEM((NG, GB), jnp.int32),
            pltpu.VMEM((CH, D), jnp.float32),
            pltpu.SemaphoreType.DMA,
        ],
        compiler_params=pltpu.CompilerParams(use_tc_tiling_on_sc=False),
    )
    def gather_k(cat_hbm, tab_hbm, out_hbm, idx_v, rows_v, sem):
        wid = lax.axis_index("s") * NC + lax.axis_index("c")
        jvec = lax.iota(jnp.int32, 16) % 4

        @pl.loop(0, nch)
        def _chunk(c):
            base = pl.multiple_of(wid * per_w + c * CH, CH)
            pltpu.sync_copy(cat_hbm.at[base // CH], idx_v)

            fvec = (base // rows_per_grp) * 4 + jvec
            foff = jnp.where(fvec < F, fvec * V, 0)

            @pl.loop(0, NG)
            def _row(r):
                @pl.loop(0, GB // 16)
                def _vec(i):
                    sl = (r, pl.ds(i * 16, 16))
                    idx_v[sl] = idx_v[sl] + foff

            copies = [
                pltpu.async_copy(
                    tab_hbm.at[idx_v.at[r]],
                    rows_v.at[pl.ds(r * GB, GB)],
                    sem,
                )
                for r in range(NG)
            ]
            for cp in copies:
                cp.wait()
            pltpu.sync_copy(rows_v, out_hbm.at[pl.ds(base, CH)])

    return gather_k(cat_ilv, tables_flat)


def _tc_mlp(x3, num_pad, w1a3, w1b, b1, w2, b2):
    bb = 512
    grid = (B // bb,)

    def body(x_ref, n_ref, w1a_ref, w1b_ref, b1_ref, w2_ref, b2_ref, o_ref):
        h = jnp.dot(n_ref[...], w1b_ref[...], preferred_element_type=jnp.float32)
        for g in range(NGRP):
            h += jnp.dot(x_ref[g], w1a_ref[g],
                         preferred_element_type=jnp.float32)
        h = jnp.maximum(h + b1_ref[...], 0.0)
        o = jnp.dot(h, w2_ref[...], preferred_element_type=jnp.float32) + b2_ref[...]
        o_ref[...] = jnp.maximum(o, 0.0)

    return pl.pallas_call(
        body,
        grid=grid,
        in_specs=[
            pl.BlockSpec((NGRP, bb, 128), lambda i: (0, i, 0)),
            pl.BlockSpec((bb, 16), lambda i: (i, 0)),
            pl.BlockSpec((NGRP, 128, H1), lambda i: (0, 0, 0)),
            pl.BlockSpec((16, H1), lambda i: (0, 0)),
            pl.BlockSpec((1, H1), lambda i: (0, 0)),
            pl.BlockSpec((H1, H2), lambda i: (0, 0)),
            pl.BlockSpec((1, H2), lambda i: (0, 0)),
        ],
        out_specs=pl.BlockSpec((bb, H2), lambda i: (i, 0)),
        out_shape=jax.ShapeDtypeStruct((B, H2), jnp.float32),
        compiler_params=pltpu.CompilerParams(
            dimension_semantics=("arbitrary",),
        ),
    )(x3, num_pad, w1a3, w1b, b1, w2, b2)


def kernel(cat_input, num_input, tables, W1, b1, W2, b2):
    dummy = (jnp.arange(B, dtype=cat_input.dtype) * 2)[:, None]
    dummy = dummy + jnp.arange(FP - F, dtype=cat_input.dtype)[None, :]
    cat_ilv = jnp.concatenate([cat_input, dummy % V], axis=1)
    cat_ilv = cat_ilv.reshape(B, NGRP, 4).transpose(1, 0, 2)
    cat_ilv = cat_ilv.reshape(TOTR // CH, NG, GB)
    tables_flat = tables.reshape(F * V, D)

    embeds = _sc_gather(cat_ilv, tables_flat)
    x3 = embeds.reshape(NGRP, B, 4 * D)

    num_pad = jnp.pad(num_input, ((0, 0), (0, 16 - NUM_NUMERIC)))
    w1a3 = jnp.pad(W1[: F * D], ((0, FP * D - F * D), (0, 0)))
    w1a3 = w1a3.reshape(NGRP, 4 * D, H1)
    w1b = jnp.pad(W1[F * D :], ((0, 16 - NUM_NUMERIC), (0, 0)))
    return _tc_mlp(x3, num_pad, w1a3, w1b,
                   b1.reshape(1, H1), W2, b2.reshape(1, H2))

# --- scband reference (transcript-rebuilt; emitter-appended) ---
"""Pipeline reference for scband-vehicle-embedding-model-68281390072708 (READ-ONLY COPY).

The authoritative reference and input builder live on the scoring server;
editing this copy changes nothing except your own understanding.
"""

import jax, jax.numpy as jnp
import numpy as np

NUM_FIELDS = 26
VOCAB = 100000
EMBED_DIM = 32
NUM_NUMERIC = 13
HIDDEN_DIM = 256
OUTPUT_DIM = 64
BATCH = 16384


def setup_inputs(seed: int = 0) -> dict:
    key = jax.random.key(seed)
    k1, k2, k3, k4, k5, k6, k7 = jax.random.split(key, 7)
    cat_input = jax.random.randint(k1, (BATCH, NUM_FIELDS), 0, VOCAB, dtype=jnp.int64 if jax.config.jax_enable_x64 else jnp.int32).astype(jnp.int32)
    num_input = jax.random.normal(k2, (BATCH, NUM_NUMERIC), dtype=jnp.float32)
    # stacked embedding tables: [F, V, D]
    tables = jax.random.normal(k3, (NUM_FIELDS, VOCAB, EMBED_DIM), dtype=jnp.float32) * 0.05
    in_dim = NUM_FIELDS * EMBED_DIM + NUM_NUMERIC
    W1 = jax.random.normal(k4, (in_dim, HIDDEN_DIM), dtype=jnp.float32) * (1.0 / np.sqrt(in_dim))
    b1 = jnp.zeros((HIDDEN_DIM,), dtype=jnp.float32)
    W2 = jax.random.normal(k5, (HIDDEN_DIM, OUTPUT_DIM), dtype=jnp.float32) * (1.0 / np.sqrt(HIDDEN_DIM))
    b2 = jnp.zeros((OUTPUT_DIM,), dtype=jnp.float32)
    return {"cat_input": cat_input, "num_input": num_input, "tables": tables, "W1": W1, "b1": b1, "W2": W2, "b2": b2}


def reference(cat_input, num_input, tables, W1, b1, W2, b2):
    B = cat_input.shape[0]
    F = tables.shape[0]
    # per-field embedding lookup: tables[f, cat_input[:, f]] -> [B, F, D]
    field_idx = jnp.arange(F, dtype=cat_input.dtype)[None, :]
    cat_embeds = tables[field_idx, cat_input]  # [B, F, D]
    cat_embeds = cat_embeds.reshape(B, -1)  # concat along feature dim
    x = jnp.concatenate([cat_embeds, num_input], axis=1)
    x = jax.nn.relu(x @ W1 + b1)
    x = jax.nn.relu(x @ W2 + b2)
    return x

if __name__ == "__main__":
    import jax
    _d = setup_inputs()
    print(jax.jit(kernel)(*tuple(_d.values())))

</pallas_src>

<mosaic_0001>
#map = affine_map<(d0, d1) -> (0, 0, 0)>
#map1 = affine_map<(d0, d1) -> (0, 0)>
module attributes {stable_mosaic.version = 14 : i64} {
  func.func @gather_k(%arg0: i32, %arg1: i32, %arg2: memref<224x16x128xi32, #tpu.memory_space<hbm>>, %arg3: memref<2600000x32xf32, #tpu.memory_space<hbm>>, %arg4: memref<458752x32xf32, #tpu.memory_space<hbm>>, %arg5: memref<16x128xi32, #tpu.memory_space<vmem>>, %arg6: memref<2048x32xf32, #tpu.memory_space<vmem>>, %arg7: memref<!tpu.dma_semaphore, #tpu.memory_space<semaphore_mem>>) attributes {dimension_semantics = [#tpu.dimension_semantics<core_parallel>, #tpu.dimension_semantics<subcore_parallel>], iteration_bounds = array<i64: 2, 16>, scalar_prefetch = 0 : i64, scratch_operands = 3 : i64, tpu.core_type = #tpu.core_type<sc_vector_subcore>, window_params = [{transform_indices = #map}, {transform_indices = #map1}, {transform_indices = #map1}]} {
    %mul3A = arith.constant 2 : i32
    %mul3A_0 = arith.muli %arg1, %mul3A : i32
    %add3A = arith.addi %mul3A_0, %arg0 : i32
    %iota3A = tpu.iota {dimensions = array<i32: 0>} : vector<16xi32>
    %jit3A = arith.constant 4 : i32
    %eq3A = arith.constant 0 : i32
    %eq3A_1 = arith.cmpi eq, %jit3A, %eq3A : i32
    %jit3A_2 = arith.constant 1 : i32
    %select_n3A = arith.select %eq3A_1, %jit3A_2, %jit3A : i32
    %rem3A = vector.broadcast %select_n3A : i32 to vector<16xi32>
    %rem3A_3 = arith.remsi %iota3A, %rem3A : vector<16xi32>
    %ne3A = arith.constant 0 : i32
    %ne3A_4 = vector.broadcast %ne3A : i32 to vector<16xi32>
    %ne3A_5 = arith.cmpi ne, %rem3A_3, %ne3A_4 : vector<16xi32>
    %lt3A = arith.constant 0 : i32
    %lt3A_6 = vector.broadcast %lt3A : i32 to vector<16xi32>
    %lt3A_7 = arith.cmpi slt, %rem3A_3, %lt3A_6 : vector<16xi32>
    %lt3A_8 = arith.constant 0 : i32
    %lt3A_9 = arith.cmpi slt, %select_n3A, %lt3A_8 : i32
    %ne3A_10 = vector.broadcast %lt3A_9 : i1 to vector<16xi1>
    %ne3A_11 = vector.broadcast %ne3A_10 : vector<16xi1> to vector<16xi1>
    %ne3A_12 = arith.xori %lt3A_7, %ne3A_11 : vector<16xi1>
    %and3A = arith.andi %ne3A_12, %ne3A_5 : vector<16xi1>
    %add3A_13 = vector.broadcast %select_n3A : i32 to vector<16xi32>
    %add3A_14 = arith.addi %rem3A_3, %add3A_13 : vector<16xi32>
    %select_n3A_15 = arith.select %and3A, %add3A_14, %rem3A_3 : vector<16xi1>, vector<16xi32>
    %scan3A = arith.constant 0 : i32
    %scan3A_16 = arith.constant 7 : i32
    %scan3A_17 = arith.addi %scan3A, %scan3A_16 : i32
    %scan3A_18 = arith.constant 1 : i32
    scf.for %scan3A_20 = %scan3A to %scan3A_17 step %scan3A_18  : i32 {
      %mul3A_21 = arith.constant 1 : i32
      %mul3A_22 = arith.muli %scan3A_20, %mul3A_21 : i32
      %add3A_23 = arith.constant 0 : i32
      %add3A_24 = arith.addi %add3A_23, %mul3A_22 : i32
      %mul3A_25 = arith.constant 14336 : i32
      %mul3A_26 = arith.muli %add3A, %mul3A_25 : i32
      %mul3A_27 = arith.constant 2048 : i32
      %mul3A_28 = arith.muli %add3A_24, %mul3A_27 : i32
      %add3A_29 = arith.addi %mul3A_26, %mul3A_28 : i32
      %multiple_of3A = tpu.assume_multiple %add3A_29, 2048 : i32
      %jit3A_30 = arith.constant 2048 : i32
      %div3A = arith.divsi %multiple_of3A, %jit3A_30 : i32
      %sign3A = arith.constant 0 : i32
      %sign3A_31 = arith.cmpi sgt, %multiple_of3A, %sign3A : i32
      %sign3A_32 = arith.extui %sign3A_31 : i1 to i32
      %sign3A_33 = arith.constant 0 : i32
      %sign3A_34 = arith.cmpi slt, %multiple_of3A, %sign3A_33 : i32
      %sign3A_35 = arith.extui %sign3A_34 : i1 to i32
      %sign3A_36 = arith.subi %sign3A_32, %sign3A_35 : i32
      %sign3A_37 = arith.constant 0 : i32
      %sign3A_38 = arith.cmpi sgt, %jit3A_30, %sign3A_37 : i32
      %sign3A_39 = arith.extui %sign3A_38 : i1 to i32
      %sign3A_40 = arith.constant 0 : i32
      %sign3A_41 = arith.cmpi slt, %jit3A_30, %sign3A_40 : i32
      %sign3A_42 = arith.extui %sign3A_41 : i1 to i32
      %sign3A_43 = arith.subi %sign3A_39, %sign3A_42 : i32
      %ne3A_44 = arith.cmpi ne, %sign3A_36, %sign3A_43 : i32
      %rem3A_45 = arith.remsi %multiple_of3A, %jit3A_30 : i32
      %ne3A_46 = arith.constant 0 : i32
      %ne3A_47 = arith.cmpi ne, %rem3A_45, %ne3A_46 : i32
      %and3A_48 = arith.andi %ne3A_44, %ne3A_47 : i1
      %sub3A = arith.constant 1 : i32
      %sub3A_49 = arith.subi %div3A, %sub3A : i32
      %select_n3A_50 = arith.select %and3A_48, %sub3A_49, %div3A : i32
      "tpu.region"() ({
        %run_scoped3A = tpu.sem_alloc : memref<!tpu.dma_semaphore, #tpu.memory_space<semaphore_mem>>
        %dma_start3A_410 = arith.constant 0 : i32
        %dma_start3A_411 = arith.constant 0 : i32
        %dma_start3A_412 = tpu.memref_slice %arg2[%select_n3A_50, %dma_start3A_410, %dma_start3A_411] : memref<224x16x128xi32, #tpu.memory_space<hbm>> -> memref<1x16x128xi32, #tpu.memory_space<hbm>>
        %dma_start3A_413 = tpu.memref_squeeze %dma_start3A_412 : memref<1x16x128xi32, #tpu.memory_space<hbm>> -> memref<16x128xi32, #tpu.memory_space<hbm>>
        %dma_start3A_414 = arith.constant 0 : i32
        %dma_start3A_415 = arith.constant 0 : i32
        %dma_start3A_416 = tpu.memref_slice %arg2[%select_n3A_50, %dma_start3A_414, %dma_start3A_415] : memref<224x16x128xi32, #tpu.memory_space<hbm>> -> memref<1x16x128xi32, #tpu.memory_space<hbm>>
        %dma_start3A_417 = tpu.memref_squeeze %dma_start3A_416 : memref<1x16x128xi32, #tpu.memory_space<hbm>> -> memref<16x128xi32, #tpu.memory_space<hbm>>
        tpu.enqueue_dma source(%dma_start3A_417 : memref<16x128xi32, #tpu.memory_space<hbm>>) target(%arg5 : memref<16x128xi32, #tpu.memory_space<vmem>>) target_semaphore(%run_scoped3A : memref<!tpu.dma_semaphore, #tpu.memory_space<semaphore_mem>>)
        %dma_wait3A_418 = arith.constant 0 : i32
        %dma_wait3A_419 = arith.constant 0 : i32
        %dma_wait3A_420 = tpu.memref_slice %arg2[%select_n3A_50, %dma_wait3A_418, %dma_wait3A_419] : memref<224x16x128xi32, #tpu.memory_space<hbm>> -> memref<1x16x128xi32, #tpu.memory_space<hbm>>
        %dma_wait3A_421 = tpu.memref_squeeze %dma_wait3A_420 : memref<1x16x128xi32, #tpu.memory_space<hbm>> -> memref<16x128xi32, #tpu.memory_space<hbm>>
        %dma_wait3A_422 = arith.constant 0 : i32
        %dma_wait3A_423 = arith.constant 0 : i32
        %dma_wait3A_424 = tpu.memref_slice %arg2[%select_n3A_50, %dma_wait3A_422, %dma_wait3A_423] : memref<224x16x128xi32, #tpu.memory_space<hbm>> -> memref<1x16x128xi32, #tpu.memory_space<hbm>>
        %dma_wait3A_425 = tpu.memref_squeeze %dma_wait3A_424 : memref<1x16x128xi32, #tpu.memory_space<hbm>> -> memref<16x128xi32, #tpu.memory_space<hbm>>
        tpu.wait_dma2 semaphore(%run_scoped3A : memref<!tpu.dma_semaphore, #tpu.memory_space<semaphore_mem>>) src(%dma_wait3A_425 : memref<16x128xi32, #tpu.memory_space<hbm>>) dst(%arg5 : memref<16x128xi32, #tpu.memory_space<vmem>>)
        tpu.yield
      }) : () -> ()
      %jit3A_51 = arith.constant 65536 : i32
      %div3A_52 = arith.divsi %multiple_of3A, %jit3A_51 : i32
      %sign3A_53 = arith.constant 0 : i32
      %sign3A_54 = arith.cmpi sgt, %multiple_of3A, %sign3A_53 : i32
      %sign3A_55 = arith.extui %sign3A_54 : i1 to i32
      %sign3A_56 = arith.constant 0 : i32
      %sign3A_57 = arith.cmpi slt, %multiple_of3A, %sign3A_56 : i32
      %sign3A_58 = arith.extui %sign3A_57 : i1 to i32
      %sign3A_59 = arith.subi %sign3A_55, %sign3A_58 : i32
      %sign3A_60 = arith.constant 0 : i32
      %sign3A_61 = arith.cmpi sgt, %jit3A_51, %sign3A_60 : i32
      %sign3A_62 = arith.extui %sign3A_61 : i1 to i32
      %sign3A_63 = arith.constant 0 : i32
      %sign3A_64 = arith.cmpi slt, %jit3A_51, %sign3A_63 : i32
      %sign3A_65 = arith.extui %sign3A_64 : i1 to i32
      %sign3A_66 = arith.subi %sign3A_62, %sign3A_65 : i32
      %ne3A_67 = arith.cmpi ne, %sign3A_59, %sign3A_66 : i32
      %rem3A_68 = arith.remsi %multiple_of3A, %jit3A_51 : i32
      %ne3A_69 = arith.constant 0 : i32
      %ne3A_70 = arith.cmpi ne, %rem3A_68, %ne3A_69 : i32
      %and3A_71 = arith.andi %ne3A_67, %ne3A_70 : i1
      %sub3A_72 = arith.constant 1 : i32
      %sub3A_73 = arith.subi %div3A_52, %sub3A_72 : i32
      %select_n3A_74 = arith.select %and3A_71, %sub3A_73, %div3A_52 : i32
      %mul3A_75 = arith.constant 4 : i32
      %mul3A_76 = arith.muli %select_n3A_74, %mul3A_75 : i32
      %add3A_77 = vector.broadcast %mul3A_76 : i32 to vector<16xi32>
      %add3A_78 = arith.addi %add3A_77, %select_n3A_15 : vector<16xi32>
      %lt3A_79 = arith.constant 26 : i32
      %lt3A_80 = vector.broadcast %lt3A_79 : i32 to vector<16xi32>
      %lt3A_81 = arith.cmpi slt, %add3A_78, %lt3A_80 : vector<16xi32>
      %mul3A_82 = arith.constant 100000 : i32
      %mul3A_83 = vector.broadcast %mul3A_82 : i32 to vector<16xi32>
      %mul3A_84 = arith.muli %add3A_78, %mul3A_83 : vector<16xi32>
      %jit3A_85 = arith.constant 0 : i32
      %broadcast_in_dim3A = vector.broadcast %jit3A_85 : i32 to vector<16xi32>
      %select_n3A_86 = arith.select %lt3A_81, %mul3A_84, %broadcast_in_dim3A : vector<16xi1>, vector<16xi32>
      %scan3A_87 = arith.constant 0 : i32
      %scan3A_88 = arith.constant 16 : i32
      %scan3A_89 = arith.addi %scan3A_87, %scan3A_88 : i32
      %scan3A_90 = arith.constant 1 : i32
      scf.for %scan3A_410 = %scan3A_87 to %scan3A_89 step %scan3A_90  : i32 {
        %mul3A_411 = arith.constant 1 : i32
        %mul3A_412 = arith.muli %scan3A_410, %mul3A_411 : i32
        %add3A_413 = arith.constant 0 : i32
        %add3A_414 = arith.addi %add3A_413, %mul3A_412 : i32
        %scan3A_415 = arith.constant 0 : i32
        %scan3A_416 = arith.constant 8 : i32
        %scan3A_417 = arith.addi %scan3A_415, %scan3A_416 : i32
        %scan3A_418 = arith.constant 1 : i32
        scf.for %scan3A_420 = %scan3A_415 to %scan3A_417 step %scan3A_418  : i32 {
          %mul3A_421 = arith.constant 1 : i32
          %mul3A_422 = arith.muli %scan3A_420, %mul3A_421 : i32
          %add3A_423 = arith.constant 0 : i32
          %add3A_424 = arith.addi %add3A_423, %mul3A_422 : i32
          %mul3A_425 = arith.constant 16 : i32
          %mul3A_426 = arith.muli %add3A_424, %mul3A_425 : i32
          %get3A = arith.index_cast %add3A_414 : i32 to index
          %get3A_427 = arith.index_cast %mul3A_426 : i32 to index
          %get3A_428 = tpu.vector_load %arg5[%get3A, %get3A_427] {strides = array<i32>} : memref<16x128xi32, #tpu.memory_space<vmem>>, vector<1x16xi32>,
          %get3A_429 = vector.shape_cast %get3A_428 : vector<1x16xi32> to vector<16xi32>
          %add3A_430 = arith.addi %get3A_429, %select_n3A_86 : vector<16xi32>
          %swap3A = arith.index_cast %add3A_414 : i32 to index
          %swap3A_431 = arith.index_cast %mul3A_426 : i32 to index
          %swap3A_432 = tpu.vector_load %arg5[%swap3A, %swap3A_431] {strides = array<i32>} : memref<16x128xi32, #tpu.memory_space<vmem>>, vector<1x16xi32>,
          %swap3A_433 = vector.shape_cast %swap3A_432 : vector<1x16xi32> to vector<16xi32>
          %swap3A_434 = vector.shape_cast %add3A_430 : vector<16xi32> to vector<1x16xi32>
          tpu.vector_store %arg5[%swap3A, %swap3A_431], %swap3A_434 {strides = array<i32>} : memref<16x128xi32, #tpu.memory_space<vmem>>, vector<1x16xi32>,
        }
        %scan3A_419 = arith.constant 8 : i32
      }
      %scan3A_91 = arith.constant 16 : i32
      %dma_start3A = arith.constant 0 : i32
      %dma_start3A_92 = arith.constant 0 : i32
      %dma_start3A_93 = arith.constant 0 : i32
      %dma_start3A_94 = tpu.memref_slice %arg6[%dma_start3A_92, %dma_start3A_93] : memref<2048x32xf32, #tpu.memory_space<vmem>> -> memref<128x32xf32, #tpu.memory_space<vmem>>
      %dma_start3A_95 = arith.constant 0 : i32
      %dma_start3A_96 = tpu.memref_slice %arg5[%dma_start3A, %dma_start3A_95] : memref<16x128xi32, #tpu.memory_space<vmem>> -> memref<1x128xi32, #tpu.memory_space<vmem>>
      %dma_start3A_97 = tpu.memref_squeeze %dma_start3A_96 : memref<1x128xi32, #tpu.memory_space<vmem>> -> memref<128xi32, #tpu.memory_space<vmem>>
      %dma_start3A_98 = arith.constant 0 : i32
      %dma_start3A_99 = arith.constant 0 : i32
      %dma_start3A_100 = tpu.memref_slice %arg3[%dma_start3A_98, %dma_start3A_99] : memref<2600000x32xf32, #tpu.memory_space<hbm>> -> memref<2600000x32xf32, #tpu.memory_space<hbm>>
      tpu.enqueue_indirect_dma source(%dma_start3A_100 : memref<2600000x32xf32, #tpu.memory_space<hbm>>) target(%dma_start3A_94 : memref<128x32xf32, #tpu.memory_space<vmem>>) offsets(%dma_start3A_97 : memref<128xi32, #tpu.memory_space<vmem>>) semaphore(%arg7 : memref<!tpu.dma_semaphore, #tpu.memory_space<semaphore_mem>>)
      %dma_start3A_101 = arith.constant 1 : i32
      %dma_start3A_102 = arith.constant 128 : i32
      %dma_start3A_103 = arith.constant 0 : i32
      %dma_start3A_104 = tpu.memref_slice %arg6[%dma_start3A_102, %dma_start3A_103] : memref<2048x32xf32, #tpu.memory_space<vmem>> -> memref<128x32xf32, #tpu.memory_space<vmem>>
      %dma_start3A_105 = arith.constant 0 : i32
      %dma_start3A_106 = tpu.memref_slice %arg5[%dma_start3A_101, %dma_start3A_105] : memref<16x128xi32, #tpu.memory_space<vmem>> -> memref<1x128xi32, #tpu.memory_space<vmem>>
      %dma_start3A_107 = tpu.memref_squeeze %dma_start3A_106 : memref<1x128xi32, #tpu.memory_space<vmem>> -> memref<128xi32, #tpu.memory_space<vmem>>
      %dma_start3A_108 = arith.constant 0 : i32
      %dma_start3A_109 = arith.constant 0 : i32
      %dma_start3A_110 = tpu.memref_slice %arg3[%dma_start3A_108, %dma_start3A_109] : memref<2600000x32xf32, #tpu.memory_space<hbm>> -> memref<2600000x32xf32, #tpu.memory_space<hbm>>
      tpu.enqueue_indirect_dma source(%dma_start3A_110 : memref<2600000x32xf32, #tpu.memory_space<hbm>>) target(%dma_start3A_104 : memref<128x32xf32, #tpu.memory_space<vmem>>) offsets(%dma_start3A_107 : memref<128xi32, #tpu.memory_space<vmem>>) semaphore(%arg7 : memref<!tpu.dma_semaphore, #tpu.memory_space<semaphore_mem>>)
      %dma_start3A_111 = arith.constant 2 : i32
      %dma_start3A_112 = arith.constant 256 : i32
      %dma_start3A_113 = arith.constant 0 : i32
      %dma_start3A_114 = tpu.memref_slice %arg6[%dma_start3A_112, %dma_start3A_113] : memref<2048x32xf32, #tpu.memory_space<vmem>> -> memref<128x32xf32, #tpu.memory_space<vmem>>
      %dma_start3A_115 = arith.constant 0 : i32
      %dma_start3A_116 = tpu.memref_slice %arg5[%dma_start3A_111, %dma_start3A_115] : memref<16x128xi32, #tpu.memory_space<vmem>> -> memref<1x128xi32, #tpu.memory_space<vmem>>
      %dma_start3A_117 = tpu.memref_squeeze %dma_start3A_116 : memref<1x128xi32, #tpu.memory_space<vmem>> -> memref<128xi32, #tpu.memory_space<vmem>>
      %dma_start3A_118 = arith.constant 0 : i32
      %dma_start3A_119 = arith.constant 0 : i32
      %dma_start3A_120 = tpu.memref_slice %arg3[%dma_start3A_118, %dma_start3A_119] : memref<2600000x32xf32, #tpu.memory_space<hbm>> -> memref<2600000x32xf32, #tpu.memory_space<hbm>>
      tpu.enqueue_indirect_dma source(%dma_start3A_120 : memref<2600000x32xf32, #tpu.memory_space<hbm>>) target(%dma_start3A_114 : memref<128x32xf32, #tpu.memory_space<vmem>>) offsets(%dma_start3A_117 : memref<128xi32, #tpu.memory_space<vmem>>) semaphore(%arg7 : memref<!tpu.dma_semaphore, #tpu.memory_space<semaphore_mem>>)
      %dma_start3A_121 = arith.constant 3 : i32
      %dma_start3A_122 = arith.constant 384 : i32
      %dma_start3A_123 = arith.constant 0 : i32
      %dma_start3A_124 = tpu.memref_slice %arg6[%dma_start3A_122, %dma_start3A_123] : memref<2048x32xf32, #tpu.memory_space<vmem>> -> memref<128x32xf32, #tpu.memory_space<vmem>>
      %dma_start3A_125 = arith.constant 0 : i32
      %dma_start3A_126 = tpu.memref_slice %arg5[%dma_start3A_121, %dma_start3A_125] : memref<16x128xi32, #tpu.memory_space<vmem>> -> memref<1x128xi32, #tpu.memory_space<vmem>>
      %dma_start3A_127 = tpu.memref_squeeze %dma_start3A_126 : memref<1x128xi32, #tpu.memory_space<vmem>> -> memref<128xi32, #tpu.memory_space<vmem>>
      %dma_start3A_128 = arith.constant 0 : i32
      %dma_start3A_129 = arith.constant 0 : i32
      %dma_start3A_130 = tpu.memref_slice %arg3[%dma_start3A_128, %dma_start3A_129] : memref<2600000x32xf32, #tpu.memory_space<hbm>> -> memref<2600000x32xf32, #tpu.memory_space<hbm>>
      tpu.enqueue_indirect_dma source(%dma_start3A_130 : memref<2600000x32xf32, #tpu.memory_space<hbm>>) target(%dma_start3A_124 : memref<128x32xf32, #tpu.memory_space<vmem>>) offsets(%dma_start3A_127 : memref<128xi32, #tpu.memory_space<vmem>>) semaphore(%arg7 : memref<!tpu.dma_semaphore, #tpu.memory_space<semaphore_mem>>)
      %dma_start3A_131 = arith.constant 4 : i32
      %dma_start3A_132 = arith.constant 512 : i32
      %dma_start3A_133 = arith.constant 0 : i32
      %dma_start3A_134 = tpu.memref_slice %arg6[%dma_start3A_132, %dma_start3A_133] : memref<2048x32xf32, #tpu.memory_space<vmem>> -> memref<128x32xf32, #tpu.memory_space<vmem>>
      %dma_start3A_135 = arith.constant 0 : i32
      %dma_start3A_136 = tpu.memref_slice %arg5[%dma_start3A_131, %dma_start3A_135] : memref<16x128xi32, #tpu.memory_space<vmem>> -> memref<1x128xi32, #tpu.memory_space<vmem>>
      %dma_start3A_137 = tpu.memref_squeeze %dma_start3A_136 : memref<1x128xi32, #tpu.memory_space<vmem>> -> memref<128xi32, #tpu.memory_space<vmem>>
      %dma_start3A_138 = arith.constant 0 : i32
      %dma_start3A_139 = arith.constant 0 : i32
      %dma_start3A_140 = tpu.memref_slice %arg3[%dma_start3A_138, %dma_start3A_139] : memref<2600000x32xf32, #tpu.memory_space<hbm>> -> memref<2600000x32xf32, #tpu.memory_space<hbm>>
      tpu.enqueue_indirect_dma source(%dma_start3A_140 : memref<2600000x32xf32, #tpu.memory_space<hbm>>) target(%dma_start3A_134 : memref<128x32xf32, #tpu.memory_space<vmem>>) offsets(%dma_start3A_137 : memref<128xi32, #tpu.memory_space<vmem>>) semaphore(%arg7 : memref<!tpu.dma_semaphore, #tpu.memory_space<semaphore_mem>>)
      %dma_start3A_141 = arith.constant 5 : i32
      %dma_start3A_142 = arith.constant 640 : i32
      %dma_start3A_143 = arith.constant 0 : i32
      %dma_start3A_144 = tpu.memref_slice %arg6[%dma_start3A_142, %dma_start3A_143] : memref<2048x32xf32, #tpu.memory_space<vmem>> -> memref<128x32xf32, #tpu.memory_space<vmem>>
      %dma_start3A_145 = arith.constant 0 : i32
      %dma_start3A_146 = tpu.memref_slice %arg5[%dma_start3A_141, %dma_start3A_145] : memref<16x128xi32, #tpu.memory_space<vmem>> -> memref<1x128xi32, #tpu.memory_space<vmem>>
      %dma_start3A_147 = tpu.memref_squeeze %dma_start3A_146 : memref<1x128xi32, #tpu.memory_space<vmem>> -> memref<128xi32, #tpu.memory_space<vmem>>
      %dma_start3A_148 = arith.constant 0 : i32
      %dma_start3A_149 = arith.constant 0 : i32
      %dma_start3A_150 = tpu.memref_slice %arg3[%dma_start3A_148, %dma_start3A_149] : memref<2600000x32xf32, #tpu.memory_space<hbm>> -> memref<2600000x32xf32, #tpu.memory_space<hbm>>
      tpu.enqueue_indirect_dma source(%dma_start3A_150 : memref<2600000x32xf32, #tpu.memory_space<hbm>>) target(%dma_start3A_144 : memref<128x32xf32, #tpu.memory_space<vmem>>) offsets(%dma_start3A_147 : memref<128xi32, #tpu.memory_space<vmem>>) semaphore(%arg7 : memref<!tpu.dma_semaphore, #tpu.memory_space<semaphore_mem>>)
      %dma_start3A_151 = arith.constant 6 : i32
      %dma_start3A_152 = arith.constant 768 : i32
      %dma_start3A_153 = arith.constant 0 : i32
      %dma_start3A_154 = tpu.memref_slice %arg6[%dma_start3A_152, %dma_start3A_153] : memref<2048x32xf32, #tpu.memory_space<vmem>> -> memref<128x32xf32, #tpu.memory_space<vmem>>
      %dma_start3A_155 = arith.constant 0 : i32
      %dma_start3A_156 = tpu.memref_slice %arg5[%dma_start3A_151, %dma_start3A_155] : memref<16x128xi32, #tpu.memory_space<vmem>> -> memref<1x128xi32, #tpu.memory_space<vmem>>
      %dma_start3A_157 = tpu.memref_squeeze %dma_start3A_156 : memref<1x128xi32, #tpu.memory_space<vmem>> -> memref<128xi32, #tpu.memory_space<vmem>>
      %dma_start3A_158 = arith.constant 0 : i32
      %dma_start3A_159 = arith.constant 0 : i32
      %dma_start3A_160 = tpu.memref_slice %arg3[%dma_start3A_158, %dma_start3A_159] : memref<2600000x32xf32, #tpu.memory_space<hbm>> -> memref<2600000x32xf32, #tpu.memory_space<hbm>>
      tpu.enqueue_indirect_dma source(%dma_start3A_160 : memref<2600000x32xf32, #tpu.memory_space<hbm>>) target(%dma_start3A_154 : memref<128x32xf32, #tpu.memory_space<vmem>>) offsets(%dma_start3A_157 : memref<128xi32, #tpu.memory_space<vmem>>) semaphore(%arg7 : memref<!tpu.dma_semaphore, #tpu.memory_space<semaphore_mem>>)
      %dma_start3A_161 = arith.constant 7 : i32
      %dma_start3A_162 = arith.constant 896 : i32
      %dma_start3A_163 = arith.constant 0 : i32
      %dma_start3A_164 = tpu.memref_slice %arg6[%dma_start3A_162, %dma_start3A_163] : memref<2048x32xf32, #tpu.memory_space<vmem>> -> memref<128x32xf32, #tpu.memory_space<vmem>>
      %dma_start3A_165 = arith.constant 0 : i32
      %dma_start3A_166 = tpu.memref_slice %arg5[%dma_start3A_161, %dma_start3A_165] : memref<16x128xi32, #tpu.memory_space<vmem>> -> memref<1x128xi32, #tpu.memory_space<vmem>>
      %dma_start3A_167 = tpu.memref_squeeze %dma_start3A_166 : memref<1x128xi32, #tpu.memory_space<vmem>> -> memref<128xi32, #tpu.memory_space<vmem>>
      %dma_start3A_168 = arith.constant 0 : i32
      %dma_start3A_169 = arith.constant 0 : i32
      %dma_start3A_170 = tpu.memref_slice %arg3[%dma_start3A_168, %dma_start3A_169] : memref<2600000x32xf32, #tpu.memory_space<hbm>> -> memref<2600000x32xf32, #tpu.memory_space<hbm>>
      tpu.enqueue_indirect_dma source(%dma_start3A_170 : memref<2600000x32xf32, #tpu.memory_space<hbm>>) target(%dma_start3A_164 : memref<128x32xf32, #tpu.memory_space<vmem>>) offsets(%dma_start3A_167 : memref<128xi32, #tpu.memory_space<vmem>>) semaphore(%arg7 : memref<!tpu.dma_semaphore, #tpu.memory_space<semaphore_mem>>)
      %dma_start3A_171 = arith.constant 8 : i32
      %dma_start3A_172 = arith.constant 1024 : i32
      %dma_start3A_173 = arith.constant 0 : i32
      %dma_start3A_174 = tpu.memref_slice %arg6[%dma_start3A_172, %dma_start3A_173] : memref<2048x32xf32, #tpu.memory_space<vmem>> -> memref<128x32xf32, #tpu.memory_space<vmem>>
      %dma_start3A_175 = arith.constant 0 : i32
      %dma_start3A_176 = tpu.memref_slice %arg5[%dma_start3A_171, %dma_start3A_175] : memref<16x128xi32, #tpu.memory_space<vmem>> -> memref<1x128xi32, #tpu.memory_space<vmem>>
      %dma_start3A_177 = tpu.memref_squeeze %dma_start3A_176 : memref<1x128xi32, #tpu.memory_space<vmem>> -> memref<128xi32, #tpu.memory_space<vmem>>
      %dma_start3A_178 = arith.constant 0 : i32
      %dma_start3A_179 = arith.constant 0 : i32
      %dma_start3A_180 = tpu.memref_slice %arg3[%dma_start3A_178, %dma_start3A_179] : memref<2600000x32xf32, #tpu.memory_space<hbm>> -> memref<2600000x32xf32, #tpu.memory_space<hbm>>
      tpu.enqueue_indirect_dma source(%dma_start3A_180 : memref<2600000x32xf32, #tpu.memory_space<hbm>>) target(%dma_start3A_174 : memref<128x32xf32, #tpu.memory_space<vmem>>) offsets(%dma_start3A_177 : memref<128xi32, #tpu.memory_space<vmem>>) semaphore(%arg7 : memref<!tpu.dma_semaphore, #tpu.memory_space<semaphore_mem>>)
      %dma_start3A_181 = arith.constant 9 : i32
      %dma_start3A_182 = arith.constant 1152 : i32
      %dma_start3A_183 = arith.constant 0 : i32
      %dma_start3A_184 = tpu.memref_slice %arg6[%dma_start3A_182, %dma_start3A_183] : memref<2048x32xf32, #tpu.memory_space<vmem>> -> memref<128x32xf32, #tpu.memory_space<vmem>>
      %dma_start3A_185 = arith.constant 0 : i32
      %dma_start3A_186 = tpu.memref_slice %arg5[%dma_start3A_181, %dma_start3A_185] : memref<16x128xi32, #tpu.memory_space<vmem>> -> memref<1x128xi32, #tpu.memory_space<vmem>>
      %dma_start3A_187 = tpu.memref_squeeze %dma_start3A_186 : memref<1x128xi32, #tpu.memory_space<vmem>> -> memref<128xi32, #tpu.memory_space<vmem>>
      %dma_start3A_188 = arith.constant 0 : i32
      %dma_start3A_189 = arith.constant 0 : i32
      %dma_start3A_190 = tpu.memref_slice %arg3[%dma_start3A_188, %dma_start3A_189] : memref<2600000x32xf32, #tpu.memory_space<hbm>> -> memref<2600000x32xf32, #tpu.memory_space<hbm>>
      tpu.enqueue_indirect_dma source(%dma_start3A_190 : memref<2600000x32xf32, #tpu.memory_space<hbm>>) target(%dma_start3A_184 : memref<128x32xf32, #tpu.memory_space<vmem>>) offsets(%dma_start3A_187 : memref<128xi32, #tpu.memory_space<vmem>>) semaphore(%arg7 : memref<!tpu.dma_semaphore, #tpu.memory_space<semaphore_mem>>)
      %dma_start3A_191 = arith.constant 10 : i32
      %dma_start3A_192 = arith.constant 1280 : i32
      %dma_start3A_193 = arith.constant 0 : i32
      %dma_start3A_194 = tpu.memref_slice %arg6[%dma_start3A_192, %dma_start3A_193] : memref<2048x32xf32, #tpu.memory_space<vmem>> -> memref<128x32xf32, #tpu.memory_space<vmem>>
      %dma_start3A_195 = arith.constant 0 : i32
      %dma_start3A_196 = tpu.memref_slice %arg5[%dma_start3A_191, %dma_start3A_195] : memref<16x128xi32, #tpu.memory_space<vmem>> -> memref<1x128xi32, #tpu.memory_space<vmem>>
      %dma_start3A_197 = tpu.memref_squeeze %dma_start3A_196 : memref<1x128xi32, #tpu.memory_space<vmem>> -> memref<128xi32, #tpu.memory_space<vmem>>
      %dma_start3A_198 = arith.constant 0 : i32
      %dma_start3A_199 = arith.constant 0 : i32
      %dma_start3A_200 = tpu.memref_slice %arg3[%dma_start3A_198, %dma_start3A_199] : memref<2600000x32xf32, #tpu.memory_space<hbm>> -> memref<2600000x32xf32, #tpu.memory_space<hbm>>
      tpu.enqueue_indirect_dma source(%dma_start3A_200 : memref<2600000x32xf32, #tpu.memory_space<hbm>>) target(%dma_start3A_194 : memref<128x32xf32, #tpu.memory_space<vmem>>) offsets(%dma_start3A_197 : memref<128xi32, #tpu.memory_space<vmem>>) semaphore(%arg7 : memref<!tpu.dma_semaphore, #tpu.memory_space<semaphore_mem>>)
      %dma_start3A_201 = arith.constant 11 : i32
      %dma_start3A_202 = arith.constant 1408 : i32
      %dma_start3A_203 = arith.constant 0 : i32
      %dma_start3A_204 = tpu.memref_slice %arg6[%dma_start3A_202, %dma_start3A_203] : memref<2048x32xf32, #tpu.memory_space<vmem>> -> memref<128x32xf32, #tpu.memory_space<vmem>>
      %dma_start3A_205 = arith.constant 0 : i32
      %dma_start3A_206 = tpu.memref_slice %arg5[%dma_start3A_201, %dma_start3A_205] : memref<16x128xi32, #tpu.memory_space<vmem>> -> memref<1x128xi32, #tpu.memory_space<vmem>>
      %dma_start3A_207 = tpu.memref_squeeze %dma_start3A_206 : memref<1x128xi32, #tpu.memory_space<vmem>> -> memref<128xi32, #tpu.memory_space<vmem>>
      %dma_start3A_208 = arith.constant 0 : i32
      %dma_start3A_209 = arith.constant 0 : i32
      %dma_start3A_210 = tpu.memref_slice %arg3[%dma_start3A_208, %dma_start3A_209] : memref<2600000x32xf32, #tpu.memory_space<hbm>> -> memref<2600000x32xf32, #tpu.memory_space<hbm>>
      tpu.enqueue_indirect_dma source(%dma_start3A_210 : memref<2600000x32xf32, #tpu.memory_space<hbm>>) target(%dma_start3A_204 : memref<128x32xf32, #tpu.memory_space<vmem>>) offsets(%dma_start3A_207 : memref<128xi32, #tpu.memory_space<vmem>>) semaphore(%arg7 : memref<!tpu.dma_semaphore, #tpu.memory_space<semaphore_mem>>)
      %dma_start3A_211 = arith.constant 12 : i32
      %dma_start3A_212 = arith.constant 1536 : i32
      %dma_start3A_213 = arith.constant 0 : i32
      %dma_start3A_214 = tpu.memref_slice %arg6[%dma_start3A_212, %dma_start3A_213] : memref<2048x32xf32, #tpu.memory_space<vmem>> -> memref<128x32xf32, #tpu.memory_space<vmem>>
      %dma_start3A_215 = arith.constant 0 : i32
      %dma_start3A_216 = tpu.memref_slice %arg5[%dma_start3A_211, %dma_start3A_215] : memref<16x128xi32, #tpu.memory_space<vmem>> -> memref<1x128xi32, #tpu.memory_space<vmem>>
      %dma_start3A_217 = tpu.memref_squeeze %dma_start3A_216 : memref<1x128xi32, #tpu.memory_space<vmem>> -> memref<128xi32, #tpu.memory_space<vmem>>
      %dma_start3A_218 = arith.constant 0 : i32
      %dma_start3A_219 = arith.constant 0 : i32
      %dma_start3A_220 = tpu.memref_slice %arg3[%dma_start3A_218, %dma_start3A_219] : memref<2600000x32xf32, #tpu.memory_space<hbm>> -> memref<2600000x32xf32, #tpu.memory_space<hbm>>
      tpu.enqueue_indirect_dma source(%dma_start3A_220 : memref<2600000x32xf32, #tpu.memory_space<hbm>>) target(%dma_start3A_214 : memref<128x32xf32, #tpu.memory_space<vmem>>) offsets(%dma_start3A_217 : memref<128xi32, #tpu.memory_space<vmem>>) semaphore(%arg7 : memref<!tpu.dma_semaphore, #tpu.memory_space<semaphore_mem>>)
      %dma_start3A_221 = arith.constant 13 : i32
      %dma_start3A_222 = arith.constant 1664 : i32
      %dma_start3A_223 = arith.constant 0 : i32
      %dma_start3A_224 = tpu.memref_slice %arg6[%dma_start3A_222, %dma_start3A_223] : memref<2048x32xf32, #tpu.memory_space<vmem>> -> memref<128x32xf32, #tpu.memory_space<vmem>>
      %dma_start3A_225 = arith.constant 0 : i32
      %dma_start3A_226 = tpu.memref_slice %arg5[%dma_start3A_221, %dma_start3A_225] : memref<16x128xi32, #tpu.memory_space<vmem>> -> memref<1x128xi32, #tpu.memory_space<vmem>>
      %dma_start3A_227 = tpu.memref_squeeze %dma_start3A_226 : memref<1x128xi32, #tpu.memory_space<vmem>> -> memref<128xi32, #tpu.memory_space<vmem>>
      %dma_start3A_228 = arith.constant 0 : i32
      %dma_start3A_229 = arith.constant 0 : i32
      %dma_start3A_230 = tpu.memref_slice %arg3[%dma_start3A_228, %dma_start3A_229] : memref<2600000x32xf32, #tpu.memory_space<hbm>> -> memref<2600000x32xf32, #tpu.memory_space<hbm>>
      tpu.enqueue_indirect_dma source(%dma_start3A_230 : memref<2600000x32xf32, #tpu.memory_space<hbm>>) target(%dma_start3A_224 : memref<128x32xf32, #tpu.memory_space<vmem>>) offsets(%dma_start3A_227 : memref<128xi32, #tpu.memory_space<vmem>>) semaphore(%arg7 : memref<!tpu.dma_semaphore, #tpu.memory_space<semaphore_mem>>)
      %dma_start3A_231 = arith.constant 14 : i32
      %dma_start3A_232 = arith.constant 1792 : i32
      %dma_start3A_233 = arith.constant 0 : i32
      %dma_start3A_234 = tpu.memref_slice %arg6[%dma_start3A_232, %dma_start3A_233] : memref<2048x32xf32, #tpu.memory_space<vmem>> -> memref<128x32xf32, #tpu.memory_space<vmem>>
      %dma_start3A_235 = arith.constant 0 : i32
      %dma_start3A_236 = tpu.memref_slice %arg5[%dma_start3A_231, %dma_start3A_235] : memref<16x128xi32, #tpu.memory_space<vmem>> -> memref<1x128xi32, #tpu.memory_space<vmem>>
      %dma_start3A_237 = tpu.memref_squeeze %dma_start3A_236 : memref<1x128xi32, #tpu.memory_space<vmem>> -> memref<128xi32, #tpu.memory_space<vmem>>
      %dma_start3A_238 = arith.constant 0 : i32
      %dma_start3A_239 = arith.constant 0 : i32
      %dma_start3A_240 = tpu.memref_slice %arg3[%dma_start3A_238, %dma_start3A_239] : memref<2600000x32xf32, #tpu.memory_space<hbm>> -> memref<2600000x32xf32, #tpu.memory_space<hbm>>
      tpu.enqueue_indirect_dma source(%dma_start3A_240 : memref<2600000x32xf32, #tpu.memory_space<hbm>>) target(%dma_start3A_234 : memref<128x32xf32, #tpu.memory_space<vmem>>) offsets(%dma_start3A_237 : memref<128xi32, #tpu.memory_space<vmem>>) semaphore(%arg7 : memref<!tpu.dma_semaphore, #tpu.memory_space<semaphore_mem>>)
      %dma_start3A_241 = arith.constant 15 : i32
      %dma_start3A_242 = arith.constant 1920 : i32
      %dma_start3A_243 = arith.constant 0 : i32
      %dma_start3A_244 = tpu.memref_slice %arg6[%dma_start3A_242, %dma_start3A_243] : memref<2048x32xf32, #tpu.memory_space<vmem>> -> memref<128x32xf32, #tpu.memory_space<vmem>>
      %dma_start3A_245 = arith.constant 0 : i32
      %dma_start3A_246 = tpu.memref_slice %arg5[%dma_start3A_241, %dma_start3A_245] : memref<16x128xi32, #tpu.memory_space<vmem>> -> memref<1x128xi32, #tpu.memory_space<vmem>>
      %dma_start3A_247 = tpu.memref_squeeze %dma_start3A_246 : memref<1x128xi32, #tpu.memory_space<vmem>> -> memref<128xi32, #tpu.memory_space<vmem>>
      %dma_start3A_248 = arith.constant 0 : i32
      %dma_start3A_249 = arith.constant 0 : i32
      %dma_start3A_250 = tpu.memref_slice %arg3[%dma_start3A_248, %dma_start3A_249] : memref<2600000x32xf32, #tpu.memory_space<hbm>> -> memref<2600000x32xf32, #tpu.memory_space<hbm>>
      tpu.enqueue_indirect_dma source(%dma_start3A_250 : memref<2600000x32xf32, #tpu.memory_space<hbm>>) target(%dma_start3A_244 : memref<128x32xf32, #tpu.memory_space<vmem>>) offsets(%dma_start3A_247 : memref<128xi32, #tpu.memory_space<vmem>>) semaphore(%arg7 : memref<!tpu.dma_semaphore, #tpu.memory_space<semaphore_mem>>)
      %dma_wait3A = arith.constant 0 : i32
      %dma_wait3A_251 = arith.constant 0 : i32
      %dma_wait3A_252 = arith.constant 0 : i32
      %dma_wait3A_253 = tpu.memref_slice %arg6[%dma_wait3A_251, %dma_wait3A_252] : memref<2048x32xf32, #tpu.memory_space<vmem>> -> memref<128x32xf32, #tpu.memory_space<vmem>>
      %dma_wait3A_254 = arith.constant 0 : i32
      %dma_wait3A_255 = tpu.memref_slice %arg5[%dma_wait3A, %dma_wait3A_254] : memref<16x128xi32, #tpu.memory_space<vmem>> -> memref<1x128xi32, #tpu.memory_space<vmem>>
      %dma_wait3A_256 = tpu.memref_squeeze %dma_wait3A_255 : memref<1x128xi32, #tpu.memory_space<vmem>> -> memref<128xi32, #tpu.memory_space<vmem>>
      %dma_wait3A_257 = arith.constant 0 : i32
      %dma_wait3A_258 = arith.constant 0 : i32
      %dma_wait3A_259 = tpu.memref_slice %arg3[%dma_wait3A_257, %dma_wait3A_258] : memref<2600000x32xf32, #tpu.memory_space<hbm>> -> memref<2600000x32xf32, #tpu.memory_space<hbm>>
      tpu.wait_indirect_dma semaphore(%arg7 : memref<!tpu.dma_semaphore, #tpu.memory_space<semaphore_mem>>) src(%dma_wait3A_259 : memref<2600000x32xf32, #tpu.memory_space<hbm>>) dst(%dma_wait3A_253 : memref<128x32xf32, #tpu.memory_space<vmem>>)
      %dma_wait3A_260 = arith.constant 1 : i32
      %dma_wait3A_261 = arith.constant 128 : i32
      %dma_wait3A_262 = arith.constant 0 : i32
      %dma_wait3A_263 = tpu.memref_slice %arg6[%dma_wait3A_261, %dma_wait3A_262] : memref<2048x32xf32, #tpu.memory_space<vmem>> -> memref<128x32xf32, #tpu.memory_space<vmem>>
      %dma_wait3A_264 = arith.constant 0 : i32
      %dma_wait3A_265 = tpu.memref_slice %arg5[%dma_wait3A_260, %dma_wait3A_264] : memref<16x128xi32, #tpu.memory_space<vmem>> -> memref<1x128xi32, #tpu.memory_space<vmem>>
      %dma_wait3A_266 = tpu.memref_squeeze %dma_wait3A_265 : memref<1x128xi32, #tpu.memory_space<vmem>> -> memref<128xi32, #tpu.memory_space<vmem>>
      %dma_wait3A_267 = arith.constant 0 : i32
      %dma_wait3A_268 = arith.constant 0 : i32
      %dma_wait3A_269 = tpu.memref_slice %arg3[%dma_wait3A_267, %dma_wait3A_268] : memref<2600000x32xf32, #tpu.memory_space<hbm>> -> memref<2600000x32xf32, #tpu.memory_space<hbm>>
      tpu.wait_indirect_dma semaphore(%arg7 : memref<!tpu.dma_semaphore, #tpu.memory_space<semaphore_mem>>) src(%dma_wait3A_269 : memref<2600000x32xf32, #tpu.memory_space<hbm>>) dst(%dma_wait3A_263 : memref<128x32xf32, #tpu.memory_space<vmem>>)
      %dma_wait3A_270 = arith.constant 2 : i32
      %dma_wait3A_271 = arith.constant 256 : i32
      %dma_wait3A_272 = arith.constant 0 : i32
      %dma_wait3A_273 = tpu.memref_slice %arg6[%dma_wait3A_271, %dma_wait3A_272] : memref<2048x32xf32, #tpu.memory_space<vmem>> -> memref<128x32xf32, #tpu.memory_space<vmem>>
      %dma_wait3A_274 = arith.constant 0 : i32
      %dma_wait3A_275 = tpu.memref_slice %arg5[%dma_wait3A_270, %dma_wait3A_274] : memref<16x128xi32, #tpu.memory_space<vmem>> -> memref<1x128xi32, #tpu.memory_space<vmem>>
      %dma_wait3A_276 = tpu.memref_squeeze %dma_wait3A_275 : memref<1x128xi32, #tpu.memory_space<vmem>> -> memref<128xi32, #tpu.memory_space<vmem>>
      %dma_wait3A_277 = arith.constant 0 : i32
      %dma_wait3A_278 = arith.constant 0 : i32
      %dma_wait3A_279 = tpu.memref_slice %arg3[%dma_wait3A_277, %dma_wait3A_278] : memref<2600000x32xf32, #tpu.memory_space<hbm>> -> memref<2600000x32xf32, #tpu.memory_space<hbm>>
      tpu.wait_indirect_dma semaphore(%arg7 : memref<!tpu.dma_semaphore, #tpu.memory_space<semaphore_mem>>) src(%dma_wait3A_279 : memref<2600000x32xf32, #tpu.memory_space<hbm>>) dst(%dma_wait3A_273 : memref<128x32xf32, #tpu.memory_space<vmem>>)
      %dma_wait3A_280 = arith.constant 3 : i32
      %dma_wait3A_281 = arith.constant 384 : i32
      %dma_wait3A_282 = arith.constant 0 : i32
      %dma_wait3A_283 = tpu.memref_slice %arg6[%dma_wait3A_281, %dma_wait3A_282] : memref<2048x32xf32, #tpu.memory_space<vmem>> -> memref<128x32xf32, #tpu.memory_space<vmem>>
      %dma_wait3A_284 = arith.constant 0 : i32
      %dma_wait3A_285 = tpu.memref_slice %arg5[%dma_wait3A_280, %dma_wait3A_284] : memref<16x128xi32, #tpu.memory_space<vmem>> -> memref<1x128xi32, #tpu.memory_space<vmem>>
      %dma_wait3A_286 = tpu.memref_squeeze %dma_wait3A_285 : memref<1x128xi32, #tpu.memory_space<vmem>> -> memref<128xi32, #tpu.memory_space<vmem>>
      %dma_wait3A_287 = arith.constant 0 : i32
      %dma_wait3A_288 = arith.constant 0 : i32
      %dma_wait3A_289 = tpu.memref_slice %arg3[%dma_wait3A_287, %dma_wait3A_288] : memref<2600000x32xf32, #tpu.memory_space<hbm>> -> memref<2600000x32xf32, #tpu.memory_space<hbm>>
      tpu.wait_indirect_dma semaphore(%arg7 : memref<!tpu.dma_semaphore, #tpu.memory_space<semaphore_mem>>) src(%dma_wait3A_289 : memref<2600000x32xf32, #tpu.memory_space<hbm>>) dst(%dma_wait3A_283 : memref<128x32xf32, #tpu.memory_space<vmem>>)
      %dma_wait3A_290 = arith.constant 4 : i32
      %dma_wait3A_291 = arith.constant 512 : i32
      %dma_wait3A_292 = arith.constant 0 : i32
      %dma_wait3A_293 = tpu.memref_slice %arg6[%dma_wait3A_291, %dma_wait3A_292] : memref<2048x32xf32, #tpu.memory_space<vmem>> -> memref<128x32xf32, #tpu.memory_space<vmem>>
      %dma_wait3A_294 = arith.constant 0 : i32
      %dma_wait3A_295 = tpu.memref_slice %arg5[%dma_wait3A_290, %dma_wait3A_294] : memref<16x128xi32, #tpu.memory_space<vmem>> -> memref<1x128xi32, #tpu.memory_space<vmem>>
      %dma_wait3A_296 = tpu.memref_squeeze %dma_wait3A_295 : memref<1x128xi32, #tpu.memory_space<vmem>> -> memref<128xi32, #tpu.memory_space<vmem>>
      %dma_wait3A_297 = arith.constant 0 : i32
      %dma_wait3A_298 = arith.constant 0 : i32
      %dma_wait3A_299 = tpu.memref_slice %arg3[%dma_wait3A_297, %dma_wait3A_298] : memref<2600000x32xf32, #tpu.memory_space<hbm>> -> memref<2600000x32xf32, #tpu.memory_space<hbm>>
      tpu.wait_indirect_dma semaphore(%arg7 : memref<!tpu.dma_semaphore, #tpu.memory_space<semaphore_mem>>) src(%dma_wait3A_299 : memref<2600000x32xf32, #tpu.memory_space<hbm>>) dst(%dma_wait3A_293 : memref<128x32xf32, #tpu.memory_space<vmem>>)
      %dma_wait3A_300 = arith.constant 5 : i32
      %dma_wait3A_301 = arith.constant 640 : i32
      %dma_wait3A_302 = arith.constant 0 : i32
      %dma_wait3A_303 = tpu.memref_slice %arg6[%dma_wait3A_301, %dma_wait3A_302] : memref<2048x32xf32, #tpu.memory_space<vmem>> -> memref<128x32xf32, #tpu.memory_space<vmem>>
      %dma_wait3A_304 = arith.constant 0 : i32
      %dma_wait3A_305 = tpu.memref_slice %arg5[%dma_wait3A_300, %dma_wait3A_304] : memref<16x128xi32, #tpu.memory_space<vmem>> -> memref<1x128xi32, #tpu.memory_space<vmem>>
      %dma_wait3A_306 = tpu.memref_squeeze %dma_wait3A_305 : memref<1x128xi32, #tpu.memory_space<vmem>> -> memref<128xi32, #tpu.memory_space<vmem>>
      %dma_wait3A_307 = arith.constant 0 : i32
      %dma_wait3A_308 = arith.constant 0 : i32
      %dma_wait3A_309 = tpu.memref_slice %arg3[%dma_wait3A_307, %dma_wait3A_308] : memref<2600000x32xf32, #tpu.memory_space<hbm>> -> memref<2600000x32xf32, #tpu.memory_space<hbm>>
      tpu.wait_indirect_dma semaphore(%arg7 : memref<!tpu.dma_semaphore, #tpu.memory_space<semaphore_mem>>) src(%dma_wait3A_309 : memref<2600000x32xf32, #tpu.memory_space<hbm>>) dst(%dma_wait3A_303 : memref<128x32xf32, #tpu.memory_space<vmem>>)
      %dma_wait3A_310 = arith.constant 6 : i32
      %dma_wait3A_311 = arith.constant 768 : i32
      %dma_wait3A_312 = arith.constant 0 : i32
      %dma_wait3A_313 = tpu.memref_slice %arg6[%dma_wait3A_311, %dma_wait3A_312] : memref<2048x32xf32, #tpu.memory_space<vmem>> -> memref<128x32xf32, #tpu.memory_space<vmem>>
      %dma_wait3A_314 = arith.constant 0 : i32
      %dma_wait3A_315 = tpu.memref_slice %arg5[%dma_wait3A_310, %dma_wait3A_314] : memref<16x128xi32, #tpu.memory_space<vmem>> -> memref<1x128xi32, #tpu.memory_space<vmem>>
      %dma_wait3A_316 = tpu.memref_squeeze %dma_wait3A_315 : memref<1x128xi32, #tpu.memory_space<vmem>> -> memref<128xi32, #tpu.memory_space<vmem>>
      %dma_wait3A_317 = arith.constant 0 : i32
      %dma_wait3A_318 = arith.constant 0 : i32
      %dma_wait3A_319 = tpu.memref_slice %arg3[%dma_wait3A_317, %dma_wait3A_318] : memref<2600000x32xf32, #tpu.memory_space<hbm>> -> memref<2600000x32xf32, #tpu.memory_space<hbm>>
      tpu.wait_indirect_dma semaphore(%arg7 : memref<!tpu.dma_semaphore, #tpu.memory_space<semaphore_mem>>) src(%dma_wait3A_319 : memref<2600000x32xf32, #tpu.memory_space<hbm>>) dst(%dma_wait3A_313 : memref<128x32xf32, #tpu.memory_space<vmem>>)
      %dma_wait3A_320 = arith.constant 7 : i32
      %dma_wait3A_321 = arith.constant 896 : i32
      %dma_wait3A_322 = arith.constant 0 : i32
      %dma_wait3A_323 = tpu.memref_slice %arg6[%dma_wait3A_321, %dma_wait3A_322] : memref<2048x32xf32, #tpu.memory_space<vmem>> -> memref<128x32xf32, #tpu.memory_space<vmem>>
      %dma_wait3A_324 = arith.constant 0 : i32
      %dma_wait3A_325 = tpu.memref_slice %arg5[%dma_wait3A_320, %dma_wait3A_324] : memref<16x128xi32, #tpu.memory_space<vmem>> -> memref<1x128xi32, #tpu.memory_space<vmem>>
      %dma_wait3A_326 = tpu.memref_squeeze %dma_wait3A_325 : memref<1x128xi32, #tpu.memory_space<vmem>> -> memref<128xi32, #tpu.memory_space<vmem>>
      %dma_wait3A_327 = arith.constant 0 : i32
      %dma_wait3A_328 = arith.constant 0 : i32
      %dma_wait3A_329 = tpu.memref_slice %arg3[%dma_wait3A_327, %dma_wait3A_328] : memref<2600000x32xf32, #tpu.memory_space<hbm>> -> memref<2600000x32xf32, #tpu.memory_space<hbm>>
      tpu.wait_indirect_dma semaphore(%arg7 : memref<!tpu.dma_semaphore, #tpu.memory_space<semaphore_mem>>) src(%dma_wait3A_329 : memref<2600000x32xf32, #tpu.memory_space<hbm>>) dst(%dma_wait3A_323 : memref<128x32xf32, #tpu.memory_space<vmem>>)
      %dma_wait3A_330 = arith.constant 8 : i32
      %dma_wait3A_331 = arith.constant 1024 : i32
      %dma_wait3A_332 = arith.constant 0 : i32
      %dma_wait3A_333 = tpu.memref_slice %arg6[%dma_wait3A_331, %dma_wait3A_332] : memref<2048x32xf32, #tpu.memory_space<vmem>> -> memref<128x32xf32, #tpu.memory_space<vmem>>
      %dma_wait3A_334 = arith.constant 0 : i32
      %dma_wait3A_335 = tpu.memref_slice %arg5[%dma_wait3A_330, %dma_wait3A_334] : memref<16x128xi32, #tpu.memory_space<vmem>> -> memref<1x128xi32, #tpu.memory_space<vmem>>
      %dma_wait3A_336 = tpu.memref_squeeze %dma_wait3A_335 : memref<1x128xi32, #tpu.memory_space<vmem>> -> memref<128xi32, #tpu.memory_space<vmem>>
      %dma_wait3A_337 = arith.constant 0 : i32
      %dma_wait3A_338 = arith.constant 0 : i32
      %dma_wait3A_339 = tpu.memref_slice %arg3[%dma_wait3A_337, %dma_wait3A_338] : memref<2600000x32xf32, #tpu.memory_space<hbm>> -> memref<2600000x32xf32, #tpu.memory_space<hbm>>
      tpu.wait_indirect_dma semaphore(%arg7 : memref<!tpu.dma_semaphore, #tpu.memory_space<semaphore_mem>>) src(%dma_wait3A_339 : memref<2600000x32xf32, #tpu.memory_space<hbm>>) dst(%dma_wait3A_333 : memref<128x32xf32, #tpu.memory_space<vmem>>)
      %dma_wait3A_340 = arith.constant 9 : i32
      %dma_wait3A_341 = arith.constant 1152 : i32
      %dma_wait3A_342 = arith.constant 0 : i32
      %dma_wait3A_343 = tpu.memref_slice %arg6[%dma_wait3A_341, %dma_wait3A_342] : memref<2048x32xf32, #tpu.memory_space<vmem>> -> memref<128x32xf32, #tpu.memory_space<vmem>>
      %dma_wait3A_344 = arith.constant 0 : i32
      %dma_wait3A_345 = tpu.memref_slice %arg5[%dma_wait3A_340, %dma_wait3A_344] : memref<16x128xi32, #tpu.memory_space<vmem>> -> memref<1x128xi32, #tpu.memory_space<vmem>>
      %dma_wait3A_346 = tpu.memref_squeeze %dma_wait3A_345 : memref<1x128xi32, #tpu.memory_space<vmem>> -> memref<128xi32, #tpu.memory_space<vmem>>
      %dma_wait3A_347 = arith.constant 0 : i32
      %dma_wait3A_348 = arith.constant 0 : i32
      %dma_wait3A_349 = tpu.memref_slice %arg3[%dma_wait3A_347, %dma_wait3A_348] : memref<2600000x32xf32, #tpu.memory_space<hbm>> -> memref<2600000x32xf32, #tpu.memory_space<hbm>>
      tpu.wait_indirect_dma semaphore(%arg7 : memref<!tpu.dma_semaphore, #tpu.memory_space<semaphore_mem>>) src(%dma_wait3A_349 : memref<2600000x32xf32, #tpu.memory_space<hbm>>) dst(%dma_wait3A_343 : memref<128x32xf32, #tpu.memory_space<vmem>>)
      %dma_wait3A_350 = arith.constant 10 : i32
      %dma_wait3A_351 = arith.constant 1280 : i32
      %dma_wait3A_352 = arith.constant 0 : i32
      %dma_wait3A_353 = tpu.memref_slice %arg6[%dma_wait3A_351, %dma_wait3A_352] : memref<2048x32xf32, #tpu.memory_space<vmem>> -> memref<128x32xf32, #tpu.memory_space<vmem>>
      %dma_wait3A_354 = arith.constant 0 : i32
      %dma_wait3A_355 = tpu.memref_slice %arg5[%dma_wait3A_350, %dma_wait3A_354] : memref<16x128xi32, #tpu.memory_space<vmem>> -> memref<1x128xi32, #tpu.memory_space<vmem>>
      %dma_wait3A_356 = tpu.memref_squeeze %dma_wait3A_355 : memref<1x128xi32, #tpu.memory_space<vmem>> -> memref<128xi32, #tpu.memory_space<vmem>>
      %dma_wait3A_357 = arith.constant 0 : i32
      %dma_wait3A_358 = arith.constant 0 : i32
      %dma_wait3A_359 = tpu.memref_slice %arg3[%dma_wait3A_357, %dma_wait3A_358] : memref<2600000x32xf32, #tpu.memory_space<hbm>> -> memref<2600000x32xf32, #tpu.memory_space<hbm>>
      tpu.wait_indirect_dma semaphore(%arg7 : memref<!tpu.dma_semaphore, #tpu.memory_space<semaphore_mem>>) src(%dma_wait3A_359 : memref<2600000x32xf32, #tpu.memory_space<hbm>>) dst(%dma_wait3A_353 : memref<128x32xf32, #tpu.memory_space<vmem>>)
      %dma_wait3A_360 = arith.constant 11 : i32
      %dma_wait3A_361 = arith.constant 1408 : i32
      %dma_wait3A_362 = arith.constant 0 : i32
      %dma_wait3A_363 = tpu.memref_slice %arg6[%dma_wait3A_361, %dma_wait3A_362] : memref<2048x32xf32, #tpu.memory_space<vmem>> -> memref<128x32xf32, #tpu.memory_space<vmem>>
      %dma_wait3A_364 = arith.constant 0 : i32
      %dma_wait3A_365 = tpu.memref_slice %arg5[%dma_wait3A_360, %dma_wait3A_364] : memref<16x128xi32, #tpu.memory_space<vmem>> -> memref<1x128xi32, #tpu.memory_space<vmem>>
      %dma_wait3A_366 = tpu.memref_squeeze %dma_wait3A_365 : memref<1x128xi32, #tpu.memory_space<vmem>> -> memref<128xi32, #tpu.memory_space<vmem>>
      %dma_wait3A_367 = arith.constant 0 : i32
      %dma_wait3A_368 = arith.constant 0 : i32
      %dma_wait3A_369 = tpu.memref_slice %arg3[%dma_wait3A_367, %dma_wait3A_368] : memref<2600000x32xf32, #tpu.memory_space<hbm>> -> memref<2600000x32xf32, #tpu.memory_space<hbm>>
      tpu.wait_indirect_dma semaphore(%arg7 : memref<!tpu.dma_semaphore, #tpu.memory_space<semaphore_mem>>) src(%dma_wait3A_369 : memref<2600000x32xf32, #tpu.memory_space<hbm>>) dst(%dma_wait3A_363 : memref<128x32xf32, #tpu.memory_space<vmem>>)
      %dma_wait3A_370 = arith.constant 12 : i32
      %dma_wait3A_371 = arith.constant 1536 : i32
      %dma_wait3A_372 = arith.constant 0 : i32
      %dma_wait3A_373 = tpu.memref_slice %arg6[%dma_wait3A_371, %dma_wait3A_372] : memref<2048x32xf32, #tpu.memory_space<vmem>> -> memref<128x32xf32, #tpu.memory_space<vmem>>
      %dma_wait3A_374 = arith.constant 0 : i32
      %dma_wait3A_375 = tpu.memref_slice %arg5[%dma_wait3A_370, %dma_wait3A_374] : memref<16x128xi32, #tpu.memory_space<vmem>> -> memref<1x128xi32, #tpu.memory_space<vmem>>
      %dma_wait3A_376 = tpu.memref_squeeze %dma_wait3A_375 : memref<1x128xi32, #tpu.memory_space<vmem>> -> memref<128xi32, #tpu.memory_space<vmem>>
      %dma_wait3A_377 = arith.constant 0 : i32
      %dma_wait3A_378 = arith.constant 0 : i32
      %dma_wait3A_379 = tpu.memref_slice %arg3[%dma_wait3A_377, %dma_wait3A_378] : memref<2600000x32xf32, #tpu.memory_space<hbm>> -> memref<2600000x32xf32, #tpu.memory_space<hbm>>
      tpu.wait_indirect_dma semaphore(%arg7 : memref<!tpu.dma_semaphore, #tpu.memory_space<semaphore_mem>>) src(%dma_wait3A_379 : memref<2600000x32xf32, #tpu.memory_space<hbm>>) dst(%dma_wait3A_373 : memref<128x32xf32, #tpu.memory_space<vmem>>)
      %dma_wait3A_380 = arith.constant 13 : i32
      %dma_wait3A_381 = arith.constant 1664 : i32
      %dma_wait3A_382 = arith.constant 0 : i32
      %dma_wait3A_383 = tpu.memref_slice %arg6[%dma_wait3A_381, %dma_wait3A_382] : memref<2048x32xf32, #tpu.memory_space<vmem>> -> memref<128x32xf32, #tpu.memory_space<vmem>>
      %dma_wait3A_384 = arith.constant 0 : i32
      %dma_wait3A_385 = tpu.memref_slice %arg5[%dma_wait3A_380, %dma_wait3A_384] : memref<16x128xi32, #tpu.memory_space<vmem>> -> memref<1x128xi32, #tpu.memory_space<vmem>>
      %dma_wait3A_386 = tpu.memref_squeeze %dma_wait3A_385 : memref<1x128xi32, #tpu.memory_space<vmem>> -> memref<128xi32, #tpu.memory_space<vmem>>
      %dma_wait3A_387 = arith.constant 0 : i32
      %dma_wait3A_388 = arith.constant 0 : i32
      %dma_wait3A_389 = tpu.memref_slice %arg3[%dma_wait3A_387, %dma_wait3A_388] : memref<2600000x32xf32, #tpu.memory_space<hbm>> -> memref<2600000x32xf32, #tpu.memory_space<hbm>>
      tpu.wait_indirect_dma semaphore(%arg7 : memref<!tpu.dma_semaphore, #tpu.memory_space<semaphore_mem>>) src(%dma_wait3A_389 : memref<2600000x32xf32, #tpu.memory_space<hbm>>) dst(%dma_wait3A_383 : memref<128x32xf32, #tpu.memory_space<vmem>>)
      %dma_wait3A_390 = arith.constant 14 : i32
      %dma_wait3A_391 = arith.constant 1792 : i32
      %dma_wait3A_392 = arith.constant 0 : i32
      %dma_wait3A_393 = tpu.memref_slice %arg6[%dma_wait3A_391, %dma_wait3A_392] : memref<2048x32xf32, #tpu.memory_space<vmem>> -> memref<128x32xf32, #tpu.memory_space<vmem>>
      %dma_wait3A_394 = arith.constant 0 : i32
      %dma_wait3A_395 = tpu.memref_slice %arg5[%dma_wait3A_390, %dma_wait3A_394] : memref<16x128xi32, #tpu.memory_space<vmem>> -> memref<1x128xi32, #tpu.memory_space<vmem>>
      %dma_wait3A_396 = tpu.memref_squeeze %dma_wait3A_395 : memref<1x128xi32, #tpu.memory_space<vmem>> -> memref<128xi32, #tpu.memory_space<vmem>>
      %dma_wait3A_397 = arith.constant 0 : i32
      %dma_wait3A_398 = arith.constant 0 : i32
      %dma_wait3A_399 = tpu.memref_slice %arg3[%dma_wait3A_397, %dma_wait3A_398] : memref<2600000x32xf32, #tpu.memory_space<hbm>> -> memref<2600000x32xf32, #tpu.memory_space<hbm>>
      tpu.wait_indirect_dma semaphore(%arg7 : memref<!tpu.dma_semaphore, #tpu.memory_space<semaphore_mem>>) src(%dma_wait3A_399 : memref<2600000x32xf32, #tpu.memory_space<hbm>>) dst(%dma_wait3A_393 : memref<128x32xf32, #tpu.memory_space<vmem>>)
      %dma_wait3A_400 = arith.constant 15 : i32
      %dma_wait3A_401 = arith.constant 1920 : i32
      %dma_wait3A_402 = arith.constant 0 : i32
      %dma_wait3A_403 = tpu.memref_slice %arg6[%dma_wait3A_401, %dma_wait3A_402] : memref<2048x32xf32, #tpu.memory_space<vmem>> -> memref<128x32xf32, #tpu.memory_space<vmem>>
      %dma_wait3A_404 = arith.constant 0 : i32
      %dma_wait3A_405 = tpu.memref_slice %arg5[%dma_wait3A_400, %dma_wait3A_404] : memref<16x128xi32, #tpu.memory_space<vmem>> -> memref<1x128xi32, #tpu.memory_space<vmem>>
      %dma_wait3A_406 = tpu.memref_squeeze %dma_wait3A_405 : memref<1x128xi32, #tpu.memory_space<vmem>> -> memref<128xi32, #tpu.memory_space<vmem>>
      %dma_wait3A_407 = arith.constant 0 : i32
      %dma_wait3A_408 = arith.constant 0 : i32
      %dma_wait3A_409 = tpu.memref_slice %arg3[%dma_wait3A_407, %dma_wait3A_408] : memref<2600000x32xf32, #tpu.memory_space<hbm>> -> memref<2600000x32xf32, #tpu.memory_space<hbm>>
      tpu.wait_indirect_dma semaphore(%arg7 : memref<!tpu.dma_semaphore, #tpu.memory_space<semaphore_mem>>) src(%dma_wait3A_409 : memref<2600000x32xf32, #tpu.memory_space<hbm>>) dst(%dma_wait3A_403 : memref<128x32xf32, #tpu.memory_space<vmem>>)
      "tpu.region"() ({
        %run_scoped3A = tpu.sem_alloc : memref<!tpu.dma_semaphore, #tpu.memory_space<semaphore_mem>>
        %dma_start3A_410 = arith.constant 0 : i32
        %dma_start3A_411 = tpu.memref_slice %arg4[%multiple_of3A, %dma_start3A_410] : memref<458752x32xf32, #tpu.memory_space<hbm>> -> memref<2048x32xf32, #tpu.memory_space<hbm>>
        %dma_start3A_412 = arith.constant 0 : i32
        %dma_start3A_413 = tpu.memref_slice %arg4[%multiple_of3A, %dma_start3A_412] : memref<458752x32xf32, #tpu.memory_space<hbm>> -> memref<2048x32xf32, #tpu.memory_space<hbm>>
        tpu.enqueue_dma source(%arg6 : memref<2048x32xf32, #tpu.memory_space<vmem>>) target(%dma_start3A_413 : memref<2048x32xf32, #tpu.memory_space<hbm>>) target_semaphore(%run_scoped3A : memref<!tpu.dma_semaphore, #tpu.memory_space<semaphore_mem>>)
        %dma_wait3A_414 = arith.constant 0 : i32
        %dma_wait3A_415 = tpu.memref_slice %arg4[%multiple_of3A, %dma_wait3A_414] : memref<458752x32xf32, #tpu.memory_space<hbm>> -> memref<2048x32xf32, #tpu.memory_space<hbm>>
        %dma_wait3A_416 = arith.constant 0 : i32
        %dma_wait3A_417 = tpu.memref_slice %arg4[%multiple_of3A, %dma_wait3A_416] : memref<458752x32xf32, #tpu.memory_space<hbm>> -> memref<2048x32xf32, #tpu.memory_space<hbm>>
        tpu.wait_dma2 semaphore(%run_scoped3A : memref<!tpu.dma_semaphore, #tpu.memory_space<semaphore_mem>>) src(%arg6 : memref<2048x32xf32, #tpu.memory_space<vmem>>) dst(%dma_wait3A_417 : memref<2048x32xf32, #tpu.memory_space<hbm>>)
        tpu.yield
      }) : () -> ()
    }
    %scan3A_19 = arith.constant 7 : i32
    return
  }
}

module attributes {stable_mosaic.version = 14 : i64} {
  func.func @body(%arg0: i32, %arg1: memref<7x512x128xf32, #tpu.memory_space<vmem>>, %arg2: memref<512x16xf32, #tpu.memory_space<vmem>>, %arg3: memref<7x128x256xf32, #tpu.memory_space<vmem>>, %arg4: memref<16x256xf32, #tpu.memory_space<vmem>>, %arg5: memref<1x256xf32, #tpu.memory_space<vmem>>, %arg6: memref<256x64xf32, #tpu.memory_space<vmem>>, %arg7: memref<1x64xf32, #tpu.memory_space<vmem>>, %arg8: memref<512x64xf32, #tpu.memory_space<vmem>>) attributes {dimension_semantics = [#tpu.dimension_semantics<arbitrary>], iteration_bounds = array<i64: 32>, scalar_prefetch = 0 : i64, scratch_operands = 0 : i64, tpu.core_type = #tpu.core_type<tc>, window_params = [{transform_indices = @transform_0, window_bounds = array<i64: 7, 512, 128>}, {transform_indices = @transform_1, window_bounds = array<i64: 512, 16>}, {pipeline_mode = #tpu.pipeline_mode<synchronous>, transform_indices = @transform_2, window_bounds = array<i64: 7, 128, 256>}, {pipeline_mode = #tpu.pipeline_mode<synchronous>, transform_indices = @transform_3, window_bounds = array<i64: 16, 256>}, {pipeline_mode = #tpu.pipeline_mode<synchronous>, transform_indices = @transform_4, window_bounds = array<i64: 1, 256>}, {pipeline_mode = #tpu.pipeline_mode<synchronous>, transform_indices = @transform_5, window_bounds = array<i64: 256, 64>}, {pipeline_mode = #tpu.pipeline_mode<synchronous>, transform_indices = @transform_6, window_bounds = array<i64: 1, 64>}, {transform_indices = @transform_7, window_bounds = array<i64: 512, 64>}]} {
    %get3A = arith.constant 0 : index
    %get3A_0 = arith.constant 0 : index
    %get3A_1 = vector.load %arg2[%get3A, %get3A_0] : memref<512x16xf32, #tpu.memory_space<vmem>>, vector<512x16xf32>
    %get3A_2 = arith.constant 0 : index
    %get3A_3 = arith.constant 0 : index
    %get3A_4 = vector.load %arg4[%get3A_2, %get3A_3] : memref<16x256xf32, #tpu.memory_space<vmem>>, vector<16x256xf32>
    %dot_general3A = arith.constant dense<0.000000e+00> : vector<512x256xf32>
    %dot_general3A_5 = tpu.matmul %get3A_1, %get3A_4, %dot_general3A {dimension_numbers = #tpu.dot_dimension_numbers<[1], [0], [0], [1], [0, 0, 1, 1], [], []>, transpose_lhs_hint = false} : vector<512x16xf32>, vector<16x256xf32>, vector<512x256xf32> -> vector<512x256xf32>
    %get3A_6 = arith.constant 0 : index
    %get3A_7 = arith.constant 0 : index
    %get3A_8 = arith.constant 0 : index
    %get3A_9 = vector.load %arg1[%get3A_6, %get3A_7, %get3A_8] : memref<7x512x128xf32, #tpu.memory_space<vmem>>, vector<1x512x128xf32>
    %get3A_10 = vector.shape_cast %get3A_9 : vector<1x512x128xf32> to vector<512x128xf32>
    %get3A_11 = arith.constant 0 : index
    %get3A_12 = arith.constant 0 : index
    %get3A_13 = arith.constant 0 : index
    %get3A_14 = vector.load %arg3[%get3A_11, %get3A_12, %get3A_13] : memref<7x128x256xf32, #tpu.memory_space<vmem>>, vector<1x128x256xf32>
    %get3A_15 = vector.shape_cast %get3A_14 : vector<1x128x256xf32> to vector<128x256xf32>
    %dot_general3A_16 = arith.constant dense<0.000000e+00> : vector<512x256xf32>
    %dot_general3A_17 = tpu.matmul %get3A_10, %get3A_15, %dot_general3A_16 {dimension_numbers = #tpu.dot_dimension_numbers<[1], [0], [0], [1], [0, 0, 1, 1], [], []>, transpose_lhs_hint = false} : vector<512x128xf32>, vector<128x256xf32>, vector<512x256xf32> -> vector<512x256xf32>
    %add3A = arith.addf %dot_general3A_5, %dot_general3A_17 : vector<512x256xf32>
    %get3A_18 = arith.constant 1 : index
    %get3A_19 = arith.constant 0 : index
    %get3A_20 = arith.constant 0 : index
    %get3A_21 = vector.load %arg1[%get3A_18, %get3A_19, %get3A_20] : memref<7x512x128xf32, #tpu.memory_space<vmem>>, vector<1x512x128xf32>
    %get3A_22 = vector.shape_cast %get3A_21 : vector<1x512x128xf32> to vector<512x128xf32>
    %get3A_23 = arith.constant 1 : index
    %get3A_24 = arith.constant 0 : index
    %get3A_25 = arith.constant 0 : index
    %get3A_26 = vector.load %arg3[%get3A_23, %get3A_24, %get3A_25] : memref<7x128x256xf32, #tpu.memory_space<vmem>>, vector<1x128x256xf32>
    %get3A_27 = vector.shape_cast %get3A_26 : vector<1x128x256xf32> to vector<128x256xf32>
    %dot_general3A_28 = arith.constant dense<0.000000e+00> : vector<512x256xf32>
    %dot_general3A_29 = tpu.matmul %get3A_22, %get3A_27, %dot_general3A_28 {dimension_numbers = #tpu.dot_dimension_numbers<[1], [0], [0], [1], [0, 0, 1, 1], [], []>, transpose_lhs_hint = false} : vector<512x128xf32>, vector<128x256xf32>, vector<512x256xf32> -> vector<512x256xf32>
    %add3A_30 = arith.addf %add3A, %dot_general3A_29 : vector<512x256xf32>
    %get3A_31 = arith.constant 2 : index
    %get3A_32 = arith.constant 0 : index
    %get3A_33 = arith.constant 0 : index
    %get3A_34 = vector.load %arg1[%get3A_31, %get3A_32, %get3A_33] : memref<7x512x128xf32, #tpu.memory_space<vmem>>, vector<1x512x128xf32>
    %get3A_35 = vector.shape_cast %get3A_34 : vector<1x512x128xf32> to vector<512x128xf32>
    %get3A_36 = arith.constant 2 : index
    %get3A_37 = arith.constant 0 : index
    %get3A_38 = arith.constant 0 : index
    %get3A_39 = vector.load %arg3[%get3A_36, %get3A_37, %get3A_38] : memref<7x128x256xf32, #tpu.memory_space<vmem>>, vector<1x128x256xf32>
    %get3A_40 = vector.shape_cast %get3A_39 : vector<1x128x256xf32> to vector<128x256xf32>
    %dot_general3A_41 = arith.constant dense<0.000000e+00> : vector<512x256xf32>
    %dot_general3A_42 = tpu.matmul %get3A_35, %get3A_40, %dot_general3A_41 {dimension_numbers = #tpu.dot_dimension_numbers<[1], [0], [0], [1], [0, 0, 1, 1], [], []>, transpose_lhs_hint = false} : vector<512x128xf32>, vector<128x256xf32>, vector<512x256xf32> -> vector<512x256xf32>
    %add3A_43 = arith.addf %add3A_30, %dot_general3A_42 : vector<512x256xf32>
    %get3A_44 = arith.constant 3 : index
    %get3A_45 = arith.constant 0 : index
    %get3A_46 = arith.constant 0 : index
    %get3A_47 = vector.load %arg1[%get3A_44, %get3A_45, %get3A_46] : memref<7x512x128xf32, #tpu.memory_space<vmem>>, vector<1x512x128xf32>
    %get3A_48 = vector.shape_cast %get3A_47 : vector<1x512x128xf32> to vector<512x128xf32>
    %get3A_49 = arith.constant 3 : index
    %get3A_50 = arith.constant 0 : index
    %get3A_51 = arith.constant 0 : index
    %get3A_52 = vector.load %arg3[%get3A_49, %get3A_50, %get3A_51] : memref<7x128x256xf32, #tpu.memory_space<vmem>>, vector<1x128x256xf32>
    %get3A_53 = vector.shape_cast %get3A_52 : vector<1x128x256xf32> to vector<128x256xf32>
    %dot_general3A_54 = arith.constant dense<0.000000e+00> : vector<512x256xf32>
    %dot_general3A_55 = tpu.matmul %get3A_48, %get3A_53, %dot_general3A_54 {dimension_numbers = #tpu.dot_dimension_numbers<[1], [0], [0], [1], [0, 0, 1, 1], [], []>, transpose_lhs_hint = false} : vector<512x128xf32>, vector<128x256xf32>, vector<512x256xf32> -> vector<512x256xf32>
    %add3A_56 = arith.addf %add3A_43, %dot_general3A_55 : vector<512x256xf32>
    %get3A_57 = arith.constant 4 : index
    %get3A_58 = arith.constant 0 : index
    %get3A_59 = arith.constant 0 : index
    %get3A_60 = vector.load %arg1[%get3A_57, %get3A_58, %get3A_59] : memref<7x512x128xf32, #tpu.memory_space<vmem>>, vector<1x512x128xf32>
    %get3A_61 = vector.shape_cast %get3A_60 : vector<1x512x128xf32> to vector<512x128xf32>
    %get3A_62 = arith.constant 4 : index
    %get3A_63 = arith.constant 0 : index
    %get3A_64 = arith.constant 0 : index
    %get3A_65 = vector.load %arg3[%get3A_62, %get3A_63, %get3A_64] : memref<7x128x256xf32, #tpu.memory_space<vmem>>, vector<1x128x256xf32>
    %get3A_66 = vector.shape_cast %get3A_65 : vector<1x128x256xf32> to vector<128x256xf32>
    %dot_general3A_67 = arith.constant dense<0.000000e+00> : vector<512x256xf32>
    %dot_general3A_68 = tpu.matmul %get3A_61, %get3A_66, %dot_general3A_67 {dimension_numbers = #tpu.dot_dimension_numbers<[1], [0], [0], [1], [0, 0, 1, 1], [], []>, transpose_lhs_hint = false} : vector<512x128xf32>, vector<128x256xf32>, vector<512x256xf32> -> vector<512x256xf32>
    %add3A_69 = arith.addf %add3A_56, %dot_general3A_68 : vector<512x256xf32>
    %get3A_70 = arith.constant 5 : index
    %get3A_71 = arith.constant 0 : index
    %get3A_72 = arith.constant 0 : index
    %get3A_73 = vector.load %arg1[%get3A_70, %get3A_71, %get3A_72] : memref<7x512x128xf32, #tpu.memory_space<vmem>>, vector<1x512x128xf32>
    %get3A_74 = vector.shape_cast %get3A_73 : vector<1x512x128xf32> to vector<512x128xf32>
    %get3A_75 = arith.constant 5 : index
    %get3A_76 = arith.constant 0 : index
    %get3A_77 = arith.constant 0 : index
    %get3A_78 = vector.load %arg3[%get3A_75, %get3A_76, %get3A_77] : memref<7x128x256xf32, #tpu.memory_space<vmem>>, vector<1x128x256xf32>
    %get3A_79 = vector.shape_cast %get3A_78 : vector<1x128x256xf32> to vector<128x256xf32>
    %dot_general3A_80 = arith.constant dense<0.000000e+00> : vector<512x256xf32>
    %dot_general3A_81 = tpu.matmul %get3A_74, %get3A_79, %dot_general3A_80 {dimension_numbers = #tpu.dot_dimension_numbers<[1], [0], [0], [1], [0, 0, 1, 1], [], []>, transpose_lhs_hint = false} : vector<512x128xf32>, vector<128x256xf32>, vector<512x256xf32> -> vector<512x256xf32>
    %add3A_82 = arith.addf %add3A_69, %dot_general3A_81 : vector<512x256xf32>
    %get3A_83 = arith.constant 6 : index
    %get3A_84 = arith.constant 0 : index
    %get3A_85 = arith.constant 0 : index
    %get3A_86 = vector.load %arg1[%get3A_83, %get3A_84, %get3A_85] : memref<7x512x128xf32, #tpu.memory_space<vmem>>, vector<1x512x128xf32>
    %get3A_87 = vector.shape_cast %get3A_86 : vector<1x512x128xf32> to vector<512x128xf32>
    %get3A_88 = arith.constant 6 : index
    %get3A_89 = arith.constant 0 : index
    %get3A_90 = arith.constant 0 : index
    %get3A_91 = vector.load %arg3[%get3A_88, %get3A_89, %get3A_90] : memref<7x128x256xf32, #tpu.memory_space<vmem>>, vector<1x128x256xf32>
    %get3A_92 = vector.shape_cast %get3A_91 : vector<1x128x256xf32> to vector<128x256xf32>
    %dot_general3A_93 = arith.constant dense<0.000000e+00> : vector<512x256xf32>
    %dot_general3A_94 = tpu.matmul %get3A_87, %get3A_92, %dot_general3A_93 {dimension_numbers = #tpu.dot_dimension_numbers<[1], [0], [0], [1], [0, 0, 1, 1], [], []>, transpose_lhs_hint = false} : vector<512x128xf32>, vector<128x256xf32>, vector<512x256xf32> -> vector<512x256xf32>
    %add3A_95 = arith.addf %add3A_82, %dot_general3A_94 : vector<512x256xf32>
    %get3A_96 = arith.constant 0 : index
    %get3A_97 = arith.constant 0 : index
    %get3A_98 = vector.load %arg5[%get3A_96, %get3A_97] : memref<1x256xf32, #tpu.memory_space<vmem>>, vector<1x256xf32>
    %add3A_99 = vector.broadcast %get3A_98 : vector<1x256xf32> to vector<512x256xf32>
    %add3A_100 = arith.addf %add3A_95, %add3A_99 : vector<512x256xf32>
    %max3A = arith.constant 0.000000e+00 : f32
    %max3A_101 = vector.broadcast %max3A : f32 to vector<512x256xf32>
    %max3A_102 = arith.maximumf %add3A_100, %max3A_101 : vector<512x256xf32>
    %get3A_103 = arith.constant 0 : index
    %get3A_104 = arith.constant 0 : index
    %get3A_105 = vector.load %arg6[%get3A_103, %get3A_104] : memref<256x64xf32, #tpu.memory_space<vmem>>, vector<256x64xf32>
    %dot_general3A_106 = arith.constant dense<0.000000e+00> : vector<512x64xf32>
    %dot_general3A_107 = tpu.matmul %max3A_102, %get3A_105, %dot_general3A_106 {dimension_numbers = #tpu.dot_dimension_numbers<[1], [0], [0], [1], [0, 0, 1, 1], [], []>, transpose_lhs_hint = false} : vector<512x256xf32>, vector<256x64xf32>, vector<512x64xf32> -> vector<512x64xf32>
    %get3A_108 = arith.constant 0 : index
    %get3A_109 = arith.constant 0 : index
    %get3A_110 = vector.load %arg7[%get3A_108, %get3A_109] : memref<1x64xf32, #tpu.memory_space<vmem>>, vector<1x64xf32>
    %add3A_111 = vector.broadcast %get3A_110 : vector<1x64xf32> to vector<512x64xf32>
    %add3A_112 = arith.addf %dot_general3A_107, %add3A_111 : vector<512x64xf32>
    %max3A_113 = arith.constant 0.000000e+00 : f32
    %max3A_114 = vector.broadcast %max3A_113 : f32 to vector<512x64xf32>
    %max3A_115 = arith.maximumf %add3A_112, %max3A_114 : vector<512x64xf32>
    %swap3A = arith.constant 0 : index
    %swap3A_116 = arith.constant 0 : index
    %swap3A_117 = vector.load %arg8[%swap3A, %swap3A_116] : memref<512x64xf32, #tpu.memory_space<vmem>>, vector<512x64xf32>
    tpu.vector_store %arg8[%swap3A, %swap3A_116], %max3A_115 {strides = array<i32>} : memref<512x64xf32, #tpu.memory_space<vmem>>, vector<512x64xf32>,
    return
  }
  func.func @transform_0(%arg0: i32) -> (i32, i32, i32) {
    %c0_i32 = arith.constant 0 : i32
    %c0_i32_0 = arith.constant 0 : i32
    %c0_i32_1 = arith.constant 0 : i32
    return %c0_i32, %arg0, %c0_i32_0 : i32, i32, i32
  }
  func.func @transform_1(%arg0: i32) -> (i32, i32) {
    %c0_i32 = arith.constant 0 : i32
    %c0_i32_0 = arith.constant 0 : i32
    return %arg0, %c0_i32 : i32, i32
  }
  func.func @transform_2(%arg0: i32) -> (i32, i32, i32) {
    %c0_i32 = arith.constant 0 : i32
    %c0_i32_0 = arith.constant 0 : i32
    %c0_i32_1 = arith.constant 0 : i32
    %c0_i32_2 = arith.constant 0 : i32
    return %c0_i32, %c0_i32_0, %c0_i32_1 : i32, i32, i32
  }
  func.func @transform_3(%arg0: i32) -> (i32, i32) {
    %c0_i32 = arith.constant 0 : i32
    %c0_i32_0 = arith.constant 0 : i32
    %c0_i32_1 = arith.constant 0 : i32
    return %c0_i32, %c0_i32_0 : i32, i32
  }
  func.func @transform_4(%arg0: i32) -> (i32, i32) {
    %c0_i32 = arith.constant 0 : i32
    %c0_i32_0 = arith.constant 0 : i32
    %c0_i32_1 = arith.constant 0 : i32
    return %c0_i32, %c0_i32_0 : i32, i32
  }
  func.func @transform_5(%arg0: i32) -> (i32, i32) {
    %c0_i32 = arith.constant 0 : i32
    %c0_i32_0 = arith.constant 0 : i32
    %c0_i32_1 = arith.constant 0 : i32
    return %c0_i32, %c0_i32_0 : i32, i32
  }
  func.func @transform_6(%arg0: i32) -> (i32, i32) {
    %c0_i32 = arith.constant 0 : i32
    %c0_i32_0 = arith.constant 0 : i32
    %c0_i32_1 = arith.constant 0 : i32
    return %c0_i32, %c0_i32_0 : i32, i32
  }
  func.func @transform_7(%arg0: i32) -> (i32, i32) {
    %c0_i32 = arith.constant 0 : i32
    %c0_i32_0 = arith.constant 0 : i32
    return %arg0, %c0_i32 : i32, i32
  }
}

</mosaic_0001>

<sc_bundles>
// kernel: kernel.4.cloned.1.call-start
scs
__scs_entry_jumppad:
0x0: {  	(pc) =	sbr.rel $0x88, $3  }
0x1: {  	(tag) =	ssettag $0x0;
	lr =	simm.s32 $0x1  }
0x2: {  	[smem:$0x3F9A] =	sst lr;
	_ =	strace $0xD0000000  }
0x3: {  	_ = 	snop  }
0x4: {  	_ = 	snop  }
0x5: {  	_ = 	snop  }
0x6: {  	_ = 	snop  }
0x7: {  	_ = 	snop  }
__scs_overlays_trampoline_lowered:
0x8: {  	[smem:$0x3FA9] =	sst s0  }
0x9: {  	[smem:$0x3FAA] =	sst s1  }
0xa: {  	[smem:$0x3FAB] =	sst s2  }
0xb: {  	[smem:$0x3FAC] =	sst s3  }
0xc: {  	[smem:$0x3FAD] =	sst s4  }
0xd: {  	[smem:$0x3FAE] =	sst s5  }
0xe: {  	[smem:$0x3FAF] =	sst s6  }
0xf: {  	[smem:$0x3FB0] =	sst s7  }
0x10: {  	[smem:$0x3FB1] =	sst s8  }
0x11: {  	[smem:$0x3FB2] =	sst s9;
	s0 =	simm.s32 @!p0 $0x0  }
0x12: {  	s1 =	sld [smem:$0x3F98];
	s0 =	simm.s32 @p0 $0x1  }
0x13: {  	[smem:$0x3FB3] =	sst s0;
	s0 =	simm.s32 @!p1 $0x0  }
0x14: {  	s2 =	sld [smem:$0x3F97];
	s0 =	simm.s32 @p1 $0x1  }
0x15: {  	[smem:$0x3FB4] =	sst s0;
	s0 =	simm.s32 @!p2 $0x0  }
0x16: {  	s3 =	sld [smem:$0x3FDB];
	s0 =	simm.s32 @p2 $0x1  }
0x17: {  	s4 =	simm.s32 $0x1BF5;
	[smem:$0x3FB6] =	sst s0  }
0x18: {  	s0 =	sld [smem:$0x3F99];
	_ =	swait.ge [sflag:s4], $0x0  }
0x19: {  	s7 =	sld [smem:$0x3F9A]  }
0x1a: {  	s8 =	sadd.s32 $0xFFFFE003, lr  }
0x1b: {  	s9 =	sadd.s32 $0xFFFFFEF7, lr;
	s5 =	simm.s32 $0xFFFFFFFF;
	p2 =	slt.u32 s8, $0xFFFFF086  }
0x1c: {  	p1 =	slt.u32 s9, $0xF7A;
	s5 =	simm.s32 @!p2 $0x0  }
0x1d: {  	s5 =	simm.s32 @p1 $0x1;
	p0 =	seq.s32 s7, s2  }
0x1e: {  	s7 =	smul.u32 @!p0 $0xF7A, s2;
	p2 =	seq.s32 @!p0 s5, $0x0  }
0x1f: {  	s9 =	smul.u32 $0xF7A, s1;
	s8 =	simm.s32 @!p0 $0x1BF5;
	p2 =	por !p2, p0  }
0x20: {  	[sflag:s8] =	ssyncset.s32 @!p0 $0xFFFFF086;
	s6 =	sadd.s32 @!p0 s3, s7;
	s7 =	simm.s32 @!p0 $0x108  }
0x21: {  	s3 =	sadd.s32 s3, s9;
	s6 =	sadd.s32 @!p0 $0x88, s6;
	s7 =	simm.s32 @p2 $0x1082  }
0x22: {  	[simem:s7], [sflag:s8] =	dma.local @!p0 [hbm:s6], $0xF7A  }
0x23: {  	s9 =	sor.u32 $0xD0000000, s2;
	s6 =	simm.s32 $0x108;
	_ =	swait.ge @!p0 [sflag:s8], $0x0  }
0x24: {  	s3 =	sadd.s32 $0x88, s3;
	s6 =	simm.s32 @!p1 $0x1082;
	[sflag:s4] =	ssyncset.s32 $0xFFFFF086  }
0x25: {  	[simem:s6], [sflag:s4] =	dma.local [hbm:s3], $0xF7A  }
0x26: {  	[smem:$0x3F9A] =	sst s1;
	(tag) =	ssettag s2;
	_ =	strace s9  }
0x27: {  	s1 =	sld [smem:$0x3FAA]  }
0x28: {  	s2 =	sld [smem:$0x3FAB]  }
0x29: {  	s4 =	sld [smem:$0x3FAD]  }
0x2a: {  	p0 =	seq.s32 s5, $0x0;
	s5 =	sld [smem:$0x3FAE]  }
0x2b: {  	s6 =	sld [smem:$0x3FAF]  }
0x2c: {  	s7 =	sld [smem:$0x3FB0]  }
0x2d: {  	s3 =	simm.s32 $0x108;
	s8 =	sld [smem:$0x3FB1]  }
0x2e: {  	s3 =	simm.s32 @!p0 $0x1082;
	s9 =	sld [smem:$0x3FB2]  }
0x2f: {  	lr =	sadd.s32 s0, s3;
	s0 =	sld [smem:$0x3FA9]  }
0x30: {  	s3 =	sld [smem:$0x3FAC]  }
0x31: {  	[smem:$0x3FB5] =	sst s10  }
0x32: {  	s10 =	sld [smem:$0x3FB3];
	_ =	sdelay $0x3  }
0x33: {  	p0 =	seq.s32 s10, $0x1;
	s10 =	sld [smem:$0x3FB5];
	_ =	sdelay $0x3  }
0x34: {  	[smem:$0x3FB5] =	sst s10  }
0x35: {  	s10 =	sld [smem:$0x3FB4];
	_ =	sdelay $0x3  }
0x36: {  	p1 =	seq.s32 s10, $0x1;
	s10 =	sld [smem:$0x3FB5];
	_ =	sdelay $0x3  }
0x37: {  	[smem:$0x3FB5] =	sst s10  }
0x38: {  	s10 =	sld [smem:$0x3FB6]  }
0x39: {  	_ = 	snop;
	(pc) =	sbr.ind lr, $3  }
0x3a: {  	_ = 	snop  }
0x3b: {  	_ = 	snop  }
0x3c: {  	p2 =	seq.s32 s10, $0x1;
	s10 =	sld [smem:$0x3FB5]  }
0x3d: {  	_ =	shalt  }
0x3e: {  	_ =	shalt  }
0x3f: {  	_ =	shalt  }
0x40: {  	_ =	shalt  }
0x41: {  	_ =	shalt  }
0x42: {  	_ =	shalt  }
0x43: {  	_ =	shalt  }
0x44: {  	_ =	shalt  }
0x45: {  	_ =	shalt  }
0x46: {  	_ =	shalt  }
0x47: {  	_ =	shalt  }
0x48: {  	_ =	shalt  }
0x49: {  	_ =	shalt  }
0x4a: {  	_ =	shalt  }
0x4b: {  	_ =	shalt  }
0x4c: {  	_ =	shalt  }
0x4d: {  	_ =	shalt  }
0x4e: {  	_ =	shalt  }
0x4f: {  	_ =	shalt  }
0x50: {  	_ =	shalt  }
0x51: {  	_ =	shalt  }
0x52: {  	_ =	shalt  }
0x53: {  	_ =	shalt  }
0x54: {  	_ =	shalt  }
0x55: {  	_ =	shalt  }
0x56: {  	_ =	shalt  }
0x57: {  	_ =	shalt  }
0x58: {  	_ =	shalt  }
0x59: {  	_ =	shalt  }
0x5a: {  	_ =	shalt  }
0x5b: {  	_ =	shalt  }
0x5c: {  	_ =	shalt  }
0x5d: {  	_ =	shalt  }
0x5e: {  	_ =	shalt  }
0x5f: {  	_ =	shalt  }
0x60: {  	_ =	shalt  }
0x61: {  	_ =	shalt  }
0x62: {  	_ =	shalt  }
0x63: {  	_ =	shalt  }
0x64: {  	_ =	shalt  }
0x65: {  	_ =	shalt  }
0x66: {  	_ =	shalt  }
0x67: {  	_ =	shalt  }
0x68: {  	_ =	shalt  }
0x69: {  	_ =	shalt  }
0x6a: {  	_ =	shalt  }
0x6b: {  	_ =	shalt  }
0x6c: {  	_ =	shalt  }
0x6d: {  	_ =	shalt  }
0x6e: {  	_ =	shalt  }
0x6f: {  	_ =	shalt  }
0x70: {  	_ =	shalt  }
0x71: {  	_ =	shalt  }
0x72: {  	_ =	shalt  }
0x73: {  	_ =	shalt  }
0x74: {  	_ =	shalt  }
0x75: {  	_ =	shalt  }
0x76: {  	_ =	shalt  }
0x77: {  	_ =	shalt  }
0x78: {  	_ =	shalt  }
0x79: {  	_ =	shalt  }
0x7a: {  	_ =	shalt  }
0x7b: {  	_ =	shalt  }
0x7c: {  	_ =	shalt  }
0x7d: {  	_ =	shalt  }
0x7e: {  	_ =	shalt  }
0x7f: {  	_ =	shalt  }
0x80: {  	_ =	shalt  }
0x81: {  	_ =	shalt  }
0x82: {  	_ =	shalt  }
0x83: {  	_ =	shalt  }
0x84: {  	_ =	shalt  }
0x85: {  	_ =	shalt  }
0x86: {  	_ =	shalt  }
0x87: {  	_ =	shalt  }
.Lfunc_end0:
.L_simem_size_0:
called_computation_lowered:
.L_overlay_start_0:
0x88: {  	s2 =	sld [smem:$0x3FD9]  }
0x89: {  	s3 =	sld [smem:$0x3FFE];
	_ =	sdelay $0x1  }
0x8a: {  	s1 =	srdreg.scid  }
0x8b: {  	s0 =	sand.u32 $0x1, s1  }
0x8c: {  	s17 =	sshll.u32 s0, $0xA;
	s2 =	sadd.s32 s3, s2  }
0x8d: {  	s2 =	sadd.s32 s2, s17  }
0x8e: {  	[smem:$0x3FC1] =	sst s2  }
0x8f: {  	_ = 	snop  }
0x90: {  	s2 =	sld [smem:$0x3FD0];
	(tm) =	ssettm $0x1  }
0x91: {  	s18 =	sld [smem:$0x3FFB];
	_ =	sdelay $0x3  }
0x92: {  	_ =	strace s18  }
0x93: {  	s3 =	sld [smem:$0x3FFC];
	_ =	sdelay $0x3  }
0x94: {  	_ =	strace s3  }
0x95: {  	s3 =	sld [smem:$0x3FFD];
	_ =	sdelay $0x3  }
0x96: {  	_ =	strace s3  }
0x97: {  	_ =	strace $0x8FFFFFFF  }
0x98: {  	s19 =	sld [smem:$0x3FDB];
	_ =	sdelay $0x1  }
0x99: {  	s4 =	simm.s32 $_scs_section_size  }
0x9a: {  	s5 =	simm.s32 $_size__tile_overlayer_lowered;
	s6 =	simm.s32 $_tile_overlayer_lowered  }
0x9b: {  	s22 =	simm.s32 $0x1BFF;
	s21 =	sshll.u32 s6, $0x1;
	s3 =	sadd.s32 s4, s19  }
0x9c: {  	s7 =	simm.s32 $0x0;
	s20 =	sshll.u32 s5, $0x1;
	s5 =	sadd.s32 s21, s3  }
0x9d: {  	[timem:s7], [sflag:s22] =	dma.local [hbm:s5], s20  }
0x9e: {  	_ =	swait.ge [sflag:s22], s20  }
0x9f: {  	s4 =	ssub.s32 $0x0, s20;
	[sflag:s22] =	ssyncset.done $0x0  }
0xa0: {  	[sflag:s22] =	ssyncadd.s32 s4;
	_ =	sdelay $0x1  }
0xa1: {  	s23 =	simm.s32 $0x1B8B  }
0xa2: {  	_ =	swait.ge [sflag:s23], $0x1  }
0xa3: {  	[sflag:s23] =	ssyncset.done $0x0  }
0xa4: {  	s25 =	simm.s32 $0x1B8E;
	s24 =	sld [smem:$0x3FFE];
	[sflag:s23] =	ssyncadd.s32 $0xFFFFFFFF  }
0xa5: {  	s26 =	simm.s32 $execute0_lowered;
	[smem:$0x3FD2] =	sst s25  }
0xa6: {  	s5 =	sshll.u32 s26, $0x1;
	_ =	strace $0x80000046;
	[dreg:$0x1] =	wrdreg $0xFFFFFFFF  }
0xa7: {  	s28 =	simm.s32 $_size_execute0_lowered;
	s3 =	sadd.s32 s3, s5;
	[dreg:$0x0] =	wrdreg $0x0  }
0xa8: {  	s5 =	sshll.u32 s28, $0x1;
	[dreg:$0x2] =	wrdreg s3  }
0xa9: {  	[dreg:$0x3] =	wrdreg s5  }
0xaa: {  	[dreg:$0x4] =	wrdreg $0xC0  }
0xab: {  	_ =	task [dreg:s7], $0x5FFFF  }
0xac: {  	[dreg:$0x1] =	wrdreg $0xFFFFFFFF  }
0xad: {  	[dreg:$0x0] =	wrdreg $0x60  }
0xae: {  	[dreg:$0x2] =	wrdreg s2  }
0xaf: {  	[dreg:$0x3] =	wrdreg s24  }
0xb0: {  	[dreg:$0x4] =	wrdreg $0x9  }
0xb1: {  	_ =	task.clear_ibuf [dreg:s7], $0x5FFFF;
	_ =	strace $0x90000046  }
0xb2: {  	s29 =	simm.s32 $0x9;
	_ =	strace $0x80000048  }
0xb3: {  	_ =	swait.ge [sflag:s29], $0x1  }
0xb4: {  	[sflag:s29] =	ssyncadd.s32 $0xFFFFFFFF  }
0xb5: {  	_ =	strace $0x90000048  }
0xb6: {  	_ =	sfence  }
0xb7: {  	s30 =	sld [smem:$0x0];
	_ =	sdelay $0x2  }
0xb8: {  	s31 =	sshll.u32 s1, $0xD;
	s1 =	sshrl.u32 s1, $0x2  }
0xb9: {  	s3 =	sand.u32 $0x4000, s31;
	s1 =	sadd.s32 s1, s30  }
0xba: {  	s0 =	sor.u32 s3, s0;
	s1 =	sshll.u32 s1, $0x11  }
0xbb: {  	s0 =	sor.u32 s1, s0  }
0xbc: {  	s0 =	sadd.s32 $0x8F2B, s0  }
0xbd: {  	[sflag:s0] =	ssyncadd.remote.s32 $0x1  }
0xbe: {  	_ =	sfence.sel $0xFFFF  }
0xbf: {  	[dreg:$0x0] =	wrdreg $0xFFFFFFFF;
	(pc) =	sbr.abs _section_cstart, $3  }
0xc0: {  	[dreg:$0x1] =	wrdreg $0xFFFFFFFF  }
0xc1: {  	_ =	task.clear_ibuf [dreg:s7], $0x2FFFF;
	_ =	strace $0x9FFFFFFF  }
0xc2: {  	(tm) =	ssettm $0x7FFFFFFF  }
0xc3: {  	_ =	shalt  }
tec
execute0_lowered:
.L_overlay_start_1:
0x0: {  	(tag) =	ssettag $0x1  }
0x1: {  	s0 =	rddreg [dreg:$0x1]  }
0x2: {  	s2 =	simm.s32 $0x0;
	s1 =	srdreg.scid;
	s5 =	stileid.u32  }
0x3: {  	s8 =	simm.s32 $0x2;
	s9 =	simm.s32 $0x80;
	s10 =	simm.s32 $0x800  }
0x4: {  	s22 =	simm.s32 $0x380;
	s23 =	simm.s32 $0x7800;
	s24 =	simm.s32 $0x400  }
0x5: {  	s25 =	simm.s32 $0x8800;
	s28 =	simm.s32 $0x9800;
	s29 =	simm.s32 $0x500  }
0x6: {  	s30 =	simm.s32 $0xA800;
	s31 =	simm.s32 $0x580;
	s11 =	simm.s32 $0xD800  }
0x7: {  	s12 =	simm.s32 $0x700;
	s13 =	simm.s32 $0xE800;
	s14 =	simm.s32 $0x780  }
0x8: {  	s15 =	simm.s32 $0xF800;
	s16 =	simm.s32 $0x1;
	s18 =	simm.s32 $0x0  }
0x9: {  	[smem:$0x7FF] =	sst s2;
	s1 =	sand.u32 $0x1, s1;
	s4 =	sadd.s32 $0x27ADC00, s0  }
0xa: {  	s7 =	sshll.u32 s5, $0x1;
	s5 =	sadd.s32 $0x1800, s0;
	s3 =	ssub.s32 $0x2, s1  }
0xb: {  	_ =	strace $0x80000047;
	s1 =	sor.u32 s1, s7;
	s6 =	sshrl.u32 s3, $0x1  }
0xc: {  	s7 =	simm.s32 $0xC800;
	s26 =	ssub.s32 s3, s6;
	s6 =	smul.u32 $0x3800, s1  }
0xd: {  	v0 =	vlaneseq.u32;
	s3 =	simm.s32 $0x600;
	s1 =	simm.s32 $0x680;
	s0 =	smax.u32 s26, $0x1  }
0xe: {  	v0 =	vand.u32 $0x3, v0;
	s26 =	simm.s32 $0x480;
	[dreg:$0x3] =	wrdreg s0;
	s0 =	simm.s32 $0xB800  }
.LBB2_1:
0xf: {  	[dreg:$0x4] =	wrdreg s18;
	s17 =	simm.s32 $0x0  }
.LBB2_2:
0x10: {  	s18 =	sshll.u32 s17, $0xB  }
0x11: {  	s18 =	sadd.s32 s6, s18  }
0x12: {  	s20 =	rddreg [dreg:$0x0];
	s19 =	sshrl.u32 s18, $0x3  }
0x13: {  	s21 =	simm.s32 $0x0;
	s19 =	sadd.s32 s20, s19  }
0x14: {  	[tilespmem:s21], [sflag:$0x2] =	stream.linear.gather [hbm4b:s19+s21], $0x800, $0x38;
	[tilespmem:$0x10800] =	vst v63  }
0x15: {  	_ =	swait.ge [sflag:s8], $0x800  }
0x16: {  	[sflag:s8] =	ssyncset.done $0x0  }
0x17: {  	s21 =	sshrl.u32 s18, $0xE;
	s19 =	simm.s32 $0x0;
	[sflag:s8] =	ssyncadd.s32 $0xFFFFF800  }
0x18: {  	s20 =	sand.u32 $0x1FFFC, s21;
	v4 =	vld [tilespmem:s19+$0x0]  }
0x19: {  	v1 =	vor.u32 s20, v0;
	v6 =	vld [tilespmem:s19+$0x10]  }
0x1a: {  	v3 =	vmul.u32 $0x186A0, v1;
	v5 =	vld [tilespmem:s19+$0x20]  }
0x1b: {  	vm0 =	vlt.u32 v1, $0x1A;
	v2 =	vld [tilespmem:s19+$0x30]  }
0x1c: {  	v1 =	vnsel vm0, $0x0, v3;
	v3 =	vld [tilespmem:s19+$0x40]  }
0x1d: {  	v7 =	vadd.s32 v1, v4;
	v4 =	vld [tilespmem:s19+$0x50]  }
0x1e: {  	s20 =	simm.s32 $0x200;
	[tilespmem:s19+$0x0] =	vst v7;
	v7 =	vadd.s32 v1, v6;
	v6 =	vld [tilespmem:s19+$0x60]  }
.LBB2_3:
0x1f: {  	s21 =	sshra.s32 s20, $0x2;
	p0 =	sne.s32 s20, $0x1E00;
	[tilespmem:s19+$0x10] =	vst v7;
	v5 =	vadd.s32 v1, v5;
	v7 =	vld [tilespmem:s19+$0x70]  }
0x20: {  	v8 =	vld [tilespmem:s21+$0x0];
	[tilespmem:s19+$0x20] =	vst v5;
	v2 =	vadd.s32 v1, v2  }
0x21: {  	v9 =	vld [tilespmem:s21+$0x10];
	[tilespmem:s19+$0x30] =	vst v2;
	v2 =	vadd.s32 v1, v3  }
.Ltmp0:
0x22: {  	v5 =	vld [tilespmem:s21+$0x20];
	[tilespmem:s19+$0x40] =	vst v2;
	v3 =	vadd.s32 v1, v4;
	(pc) =	sbr.rel @p0 .LBB2_3-.Ltmp0, $4  }
0x23: {  	v2 =	vld [tilespmem:s21+$0x30];
	[tilespmem:s19+$0x50] =	vst v3;
	v4 =	vadd.s32 v1, v6  }
0x24: {  	v3 =	vld [tilespmem:s21+$0x40];
	[tilespmem:s19+$0x60] =	vst v4;
	v6 =	vadd.s32 v1, v7  }
0x25: {  	v7 =	vadd.s32 v1, v8;
	v4 =	vld [tilespmem:s21+$0x50];
	[tilespmem:s19+$0x70] =	vst v6;
	s19 =	smov.u32 s21  }
0x26: {  	s20 =	sadd.s32 $0x200, s20;
	[tilespmem:s19+$0x0] =	vst v7;
	v7 =	vadd.s32 v1, v9;
	v6 =	vld [tilespmem:s19+$0x60]  }
0x27: {  	[tilespmem:s19+$0x10] =	vst v7;
	v5 =	vadd.s32 v1, v5;
	v63 =	vld [tilespmem:s19+$0x70]  }
0x28: {  	[tilespmem:s19+$0x20] =	vst v5;
	v2 =	vadd.s32 v1, v2  }
0x29: {  	[tilespmem:s19+$0x30] =	vst v2;
	v2 =	vadd.s32 v1, v3  }
0x2a: {  	[tilespmem:s19+$0x40] =	vst v2;
	v2 =	vadd.s32 v1, v4  }
0x2b: {  	[tilespmem:s19+$0x50] =	vst v2;
	v2 =	vadd.s32 v1, v6  }
0x2c: {  	[tilespmem:s19+$0x60] =	vst v2;
	v1 =	vadd.s32 v1, v63  }
0x2d: {  	[tilespmem:s19+$0x70] =	vst v1  }
0x2e: {  	[tilespmem:s10], [sflag:$0x1] =	stream.indirect.gather [hbm4b:s4+s9], $0x20, s2, s9, $0xb8;
	[tilespmem:$0x10800] =	vst v63  }
0x2f: {  	s20 =	simm.s32 $0x1800  }
0x30: {  	[tilespmem:s20], [sflag:$0x1] =	stream.indirect.gather [hbm4b:s4+s9], $0x20, s9, s9, $0xb8;
	[tilespmem:$0x10800] =	vst v63  }
0x31: {  	s21 =	simm.s32 $0x100;
	s20 =	simm.s32 $0x2800  }
0x32: {  	[tilespmem:s20], [sflag:$0x1] =	stream.indirect.gather [hbm4b:s4+s9], $0x20, s21, s9, $0xb8;
	[tilespmem:$0x10800] =	vst v63  }
0x33: {  	s20 =	simm.s32 $0x180;
	s21 =	simm.s32 $0x3800  }
0x34: {  	[tilespmem:s21], [sflag:$0x1] =	stream.indirect.gather [hbm4b:s4+s9], $0x20, s20, s9, $0xb8;
	[tilespmem:$0x10800] =	vst v63  }
0x35: {  	s20 =	simm.s32 $0x200;
	s21 =	simm.s32 $0x4800  }
0x36: {  	[tilespmem:s21], [sflag:$0x1] =	stream.indirect.gather [hbm4b:s4+s9], $0x20, s20, s9, $0xb8;
	[tilespmem:$0x10800] =	vst v63  }
0x37: {  	s20 =	simm.s32 $0x280;
	s21 =	simm.s32 $0x5800  }
0x38: {  	[tilespmem:s21], [sflag:$0x1] =	stream.indirect.gather [hbm4b:s4+s9], $0x20, s20, s9, $0xb8;
	[tilespmem:$0x10800] =	vst v63  }
0x39: {  	s20 =	simm.s32 $0x300;
	s21 =	simm.s32 $0x6800  }
0x3a: {  	[tilespmem:s21], [sflag:$0x1] =	stream.indirect.gather [hbm4b:s4+s9], $0x20, s20, s9, $0xb8;
	[tilespmem:$0x10800] =	vst v63  }
0x3b: {  	_ = 	snop  }
0x3c: {  	[tilespmem:s23], [sflag:$0x1] =	stream.indirect.gather [hbm4b:s4+s9], $0x20, s22, s9, $0xb8;
	[tilespmem:$0x10800] =	vst v63  }
0x3d: {  	_ = 	snop  }
0x3e: {  	[tilespmem:s25], [sflag:$0x1] =	stream.indirect.gather [hbm4b:s4+s9], $0x20, s24, s9, $0xb8;
	[tilespmem:$0x10800] =	vst v63  }
0x3f: {  	_ = 	snop  }
0x40: {  	[tilespmem:s28], [sflag:$0x1] =	stream.indirect.gather [hbm4b:s4+s9], $0x20, s26, s9, $0xb8;
	[tilespmem:$0x10800] =	vst v63  }
0x41: {  	_ = 	snop  }
0x42: {  	[tilespmem:s30], [sflag:$0x1] =	stream.indirect.gather [hbm4b:s4+s9], $0x20, s29, s9, $0xb8;
	[tilespmem:$0x10800] =	vst v63  }
0x43: {  	_ = 	snop  }
0x44: {  	[tilespmem:s0], [sflag:$0x1] =	stream.indirect.gather [hbm4b:s4+s9], $0x20, s31, s9, $0xb8;
	[tilespmem:$0x10800] =	vst v63  }
0x45: {  	_ = 	snop  }
0x46: {  	[tilespmem:s7], [sflag:$0x1] =	stream.indirect.gather [hbm4b:s4+s9], $0x20, s3, s9, $0xb8;
	[tilespmem:$0x10800] =	vst v63  }
0x47: {  	_ = 	snop  }
0x48: {  	[tilespmem:s11], [sflag:$0x1] =	stream.indirect.gather [hbm4b:s4+s9], $0x20, s1, s9, $0xb8;
	[tilespmem:$0x10800] =	vst v63  }
0x49: {  	_ = 	snop  }
0x4a: {  	[tilespmem:s13], [sflag:$0x1] =	stream.indirect.gather [hbm4b:s4+s9], $0x20, s12, s9, $0xb8;
	[tilespmem:$0x10800] =	vst v63  }
0x4b: {  	_ = 	snop  }
0x4c: {  	[tilespmem:s15], [sflag:$0x1] =	stream.indirect.gather [hbm4b:s4+s9], $0x20, s14, s9, $0xb8;
	[tilespmem:$0x10800] =	vst v63  }
0x4d: {  	_ =	swait.ge [sflag:s16], $0x1000  }
0x4e: {  	[sflag:s16] =	ssyncset.done $0x0  }
0x4f: {  	[sflag:s16] =	ssyncadd.s32 $0xFFFFF000  }
0x50: {  	_ =	swait.ge [sflag:s16], $0x1000  }
0x51: {  	[sflag:s16] =	ssyncset.done $0x0  }
0x52: {  	[sflag:s16] =	ssyncadd.s32 $0xFFFFF000  }
0x53: {  	_ =	swait.ge [sflag:s16], $0x1000  }
0x54: {  	[sflag:s16] =	ssyncset.done $0x0  }
0x55: {  	[sflag:s16] =	ssyncadd.s32 $0xFFFFF000  }
0x56: {  	_ =	swait.ge [sflag:s16], $0x1000  }
0x57: {  	[sflag:s16] =	ssyncset.done $0x0  }
0x58: {  	[sflag:s16] =	ssyncadd.s32 $0xFFFFF000  }
0x59: {  	_ =	swait.ge [sflag:s16], $0x1000  }
0x5a: {  	[sflag:s16] =	ssyncset.done $0x0  }
0x5b: {  	[sflag:s16] =	ssyncadd.s32 $0xFFFFF000  }
0x5c: {  	_ =	swait.ge [sflag:s16], $0x1000  }
0x5d: {  	[sflag:s16] =	ssyncset.done $0x0  }
0x5e: {  	[sflag:s16] =	ssyncadd.s32 $0xFFFFF000  }
0x5f: {  	_ =	swait.ge [sflag:s16], $0x1000  }
0x60: {  	[sflag:s16] =	ssyncset.done $0x0  }
0x61: {  	[sflag:s16] =	ssyncadd.s32 $0xFFFFF000  }
0x62: {  	_ =	swait.ge [sflag:s16], $0x1000  }
0x63: {  	[sflag:s16] =	ssyncset.done $0x0  }
0x64: {  	[sflag:s16] =	ssyncadd.s32 $0xFFFFF000  }
0x65: {  	_ =	swait.ge [sflag:s16], $0x1000  }
0x66: {  	[sflag:s16] =	ssyncset.done $0x0  }
0x67: {  	[sflag:s16] =	ssyncadd.s32 $0xFFFFF000  }
0x68: {  	_ =	swait.ge [sflag:s16], $0x1000  }
0x69: {  	[sflag:s16] =	ssyncset.done $0x0  }
0x6a: {  	[sflag:s16] =	ssyncadd.s32 $0xFFFFF000  }
0x6b: {  	_ =	swait.ge [sflag:s16], $0x1000  }
0x6c: {  	[sflag:s16] =	ssyncset.done $0x0  }
0x6d: {  	[sflag:s16] =	ssyncadd.s32 $0xFFFFF000  }
0x6e: {  	_ =	swait.ge [sflag:s16], $0x1000  }
0x6f: {  	[sflag:s16] =	ssyncset.done $0x0  }
0x70: {  	[sflag:s16] =	ssyncadd.s32 $0xFFFFF000  }
0x71: {  	_ =	swait.ge [sflag:s16], $0x1000  }
0x72: {  	[sflag:s16] =	ssyncset.done $0x0  }
0x73: {  	[sflag:s16] =	ssyncadd.s32 $0xFFFFF000  }
0x74: {  	_ =	swait.ge [sflag:s16], $0x1000  }
0x75: {  	[sflag:s16] =	ssyncset.done $0x0  }
0x76: {  	[sflag:s16] =	ssyncadd.s32 $0xFFFFF000  }
0x77: {  	_ =	swait.ge [sflag:s16], $0x1000  }
0x78: {  	[sflag:s16] =	ssyncset.done $0x0  }
0x79: {  	[sflag:s16] =	ssyncadd.s32 $0xFFFFF000  }
0x7a: {  	s17 =	sadd.s32 $0x1, s17;
	_ =	swait.ge [sflag:s16], $0x1000  }
0x7b: {  	s18 =	sshll.u32 s18, $0x2;
	p0 =	sne.s32 s17, $0x7;
	[sflag:s16] =	ssyncset.done $0x0  }
.Ltmp1:
0x7c: {  	s18 =	sadd.s32 s5, s18;
	[sflag:s16] =	ssyncadd.s32 $0xFFFFF000;
	(pc) =	sbr.rel @p0 .LBB2_2-.Ltmp1, $4  }
0x7d: {  	[hbm4b:s18+s2] =	stream.linear.scatter [tilespmem:s10], [sflag:$0x2], $0x10000, $0x38;
	[tilespmem:$0x10800] =	vst v63  }
0x7e: {  	_ =	swait.ge [sflag:s8], $0x10000  }
0x7f: {  	[sflag:s8] =	ssyncset.done $0x0  }
0x80: {  	[sflag:s8] =	ssyncadd.s32 $0xFFFF0000  }
0x81: {  	s18 =	rddreg [dreg:$0x4]  }
0x82: {  	s17 =	rddreg [dreg:$0x3];
	s18 =	sadd.s32 $0x1, s18  }
0x83: {  	p0 =	sne.s32 s18, s17  }
.Ltmp2:
0x84: {  	_ = 	snop;
	(pc) =	sbr.rel @p0 .LBB2_1-.Ltmp2, $1  }
0x85: {  	_ =	sdelay $0x3  }
0x86: {  	_ =	sfence.sel $0x180000  }
0x87: {  	[bflag:$0x0] =	sbarrier.arrive $0xFFFF  }
0x88: {  	_ =	strace $0x90000047  }
0x89: {  	s0 =	stileid.u32;
	[bflag:$0x2] =	sbarrier.arrive $0xFFFF  }
0x8a: {  	p0 =	sne.s32 s0, $0x0;
	s0 =	rddreg [dreg:$0x2]  }
0x8b: {  	s0 =	sadd.s32 @!p0 $0x100000, s0  }
0x8c: {  	[sflag:s0] =	ssyncadd.tile.s32 @!p0 $0x1;
	_ =	shalt  }
.Lfunc_end2:
_tile_overlayer_lowered:
.L_overlay_start_2:
0x8d: {  	(tag) =	ssettag $0x2  }
0x8e: {  	s0 =	rddreg [dreg:$0x0];
	s2 =	stileid.u32  }
0x8f: {  	s1 =	rddreg [dreg:$0x1];
	p0 =	sne.s32 s2, $0x0  }
0x90: {  	s3 =	rddreg [dreg:$0x2];
	[bflag:$0x3] =	sbarrier.arrive $0xFFFF;
	s2 =	simm.s32 @!p0 $0x1C02  }
0x91: {  	[timem:s3], [sflag:s2] =	dma.local @!p0 [hbm:s0], s1  }
0x92: {  	s0 =	simm.s32 @!p0 $0x2  }
0x93: {  	_ =	swait.ge @!p0 [sflag:s0], s1  }
0x94: {  	s1 =	ssub.s32 @!p0 $0x0, s1;
	[sflag:s0] =	ssyncset.done @!p0 $0x0  }
0x95: {  	[sflag:s0] =	ssyncadd.s32 @!p0 s1  }
0x96: {  	[bflag:$0x3] =	sbarrier.arrive $0xFFFF  }
0x97: {  	_ =	shalt  }

</sc_bundles>
